<compile_context>
chip_gen: v7x
topology: tpu7x:2x2x1
jax: 0.10.2.dev20260603
libtpu: 0.0.44.dev20260713+nightly
codegen_flags: <defaults>
</compile_context>

<pallas_src>
import functools

import jax
import jax.numpy as jnp
from jax import lax
from jax.experimental import pallas as pl
from jax.experimental.pallas import tpu as pltpu
from jax.experimental.pallas import tpu_sc as plsc

N = 10000
E = 320000
D = 128
H = 64
G = 64
NW = 32
WIN = 128
K = 79
EPAD = NW * K * WIN
NPAD = 10240
BN_EPS = 1e-5

_mesh = plsc.VectorSubcoreMesh(core_axis_name="c", subcore_axis_name="s")


@functools.partial(
    pl.kernel,
    mesh=_mesh,
    out_type=jax.ShapeDtypeStruct((2, NPAD, H), jnp.float32),
    scratch_types=[
        pltpu.VMEM_SHARED((NPAD, H), jnp.float32),
        pltpu.VMEM((K, WIN), jnp.int32),
        pltpu.VMEM((K, WIN), jnp.int32),
        pltpu.VMEM((WIN, H), jnp.float32),
        pltpu.SemaphoreType.DMA,
    ],
    compiler_params=pltpu.CompilerParams(use_tc_tiling_on_sc=False),
)
def _sc_agg(y_hbm, src_hbm, dst_hbm, zeros_hbm, out_hbm,
            acc_sh, src_v, dst_v, rows_v, sem):
    c = lax.axis_index("c")
    s = lax.axis_index("s")
    w = c * 16 + s
    pltpu.sync_copy(zeros_hbm.at[pl.ds(s * 640, 640)],
                    acc_sh.at[pl.ds(s * 640, 640)])
    pltpu.sync_copy(src_hbm.at[w], src_v)
    pltpu.sync_copy(dst_hbm.at[w], dst_v)
    plsc.subcore_barrier()

    @pl.loop(0, K)
    def _(j):
        pltpu.async_copy(y_hbm.at[src_v.at[j]], rows_v, sem).wait()
        pltpu.sync_copy(rows_v, acc_sh.at[dst_v.at[j]], add=True)

    plsc.subcore_barrier()
    pltpu.sync_copy(acc_sh.at[pl.ds(s * 640, 640)],
                    out_hbm.at[c, pl.ds(s * 640, 640)])


def _tc_head_body(x_ref, w1_ref, b1_ref, o_ref):
    o_ref[...] = (jnp.dot(x_ref[...], w1_ref[...],
                          preferred_element_type=jnp.float32,
                          precision=lax.Precision.HIGHEST) + b1_ref[...])


def _layer_tail(y, agg0, agg1, w2, b2, g, be):
    z = jnp.maximum(y + agg0 + agg1, 0.0)
    z = jnp.maximum(
        jnp.dot(z, w2, preferred_element_type=jnp.float32,
                precision=lax.Precision.HIGHEST) + b2, 0.0)
    m1 = jnp.sum(z, axis=0, keepdims=True) * (1.0 / N)
    d = z - m1
    var = jnp.sum(d * d, axis=0, keepdims=True) * (1.0 / N)
    zn = d * lax.rsqrt(var + BN_EPS) * g + be
    return jnp.maximum(zn, 0.0)


def _tc_mid_body(y_ref, agg_ref, w2_ref, b2_ref, g_ref, be_ref,
                 w1n_ref, b1n_ref, o_ref):
    h = _layer_tail(y_ref[...], agg_ref[0, :N], agg_ref[1, :N],
                    w2_ref[...], b2_ref[...], g_ref[...], be_ref[...])
    o_ref[...] = (jnp.dot(h, w1n_ref[...],
                          preferred_element_type=jnp.float32,
                          precision=lax.Precision.HIGHEST) + b1n_ref[...])


def _tc_fin_body(y_ref, agg_ref, w2_ref, b2_ref, g_ref, be_ref,
                 batch_ref, wf_ref, bf_ref, o_ref):
    h = _layer_tail(y_ref[...], agg_ref[0, :N], agg_ref[1, :N],
                    w2_ref[...], b2_ref[...], g_ref[...], be_ref[...])
    iota = lax.broadcasted_iota(jnp.int32, (N, G), 1)
    oh = (iota == batch_ref[...]).astype(jnp.float32)
    pooled = lax.dot_general(oh, h, (((0,), (0,)), ((), ())),
                             preferred_element_type=jnp.float32,
                             precision=lax.Precision.HIGHEST)
    o_ref[...] = (jnp.dot(pooled, wf_ref[...],
                          preferred_element_type=jnp.float32,
                          precision=lax.Precision.HIGHEST) + bf_ref[...])


def _call(body, out_shape, *args):
    return pl.pallas_call(
        body, out_shape=jax.ShapeDtypeStruct(out_shape, jnp.float32))(*args)


def kernel(x, edge_index, batch,
           W1_0, b1_0, W2_0, b2_0, gamma_0, beta_0,
           W1_1, b1_1, W2_1, b2_1, gamma_1, beta_1,
           W1_2, b1_2, W2_2, b2_2, gamma_2, beta_2,
           Wf, bf):
    src = edge_index[0].astype(jnp.int32)
    dst = edge_index[1].astype(jnp.int32)
    pad = EPAD - E
    psrc = (jnp.arange(pad, dtype=jnp.int32) * 97) % N
    pdst = N + (jnp.arange(pad, dtype=jnp.int32) % (NPAD - N))
    srcb = jnp.concatenate([src, psrc]).reshape(NW, K, WIN)
    dstb = jnp.concatenate([dst, pdst]).reshape(NW, K, WIN)
    zeros = jnp.zeros((NPAD, H), jnp.float32)
    batch2 = batch.astype(jnp.int32).reshape(N, 1)

    b1 = [b1_0.reshape(1, H), b1_1.reshape(1, H), b1_2.reshape(1, H)]
    b2 = [b2_0.reshape(1, H), b2_1.reshape(1, H), b2_2.reshape(1, H)]
    gm = [gamma_0.reshape(1, H), gamma_1.reshape(1, H), gamma_2.reshape(1, H)]
    bt = [beta_0.reshape(1, H), beta_1.reshape(1, H), beta_2.reshape(1, H)]
    W2 = [W2_0, W2_1, W2_2]

    y = _call(_tc_head_body, (N, H), x, W1_0, b1[0])
    a = _sc_agg(y, srcb, dstb, zeros)
    y = _call(_tc_mid_body, (N, H), y, a, W2[0], b2[0], gm[0], bt[0],
              W1_1, b1[1])
    a = _sc_agg(y, srcb, dstb, zeros)
    y = _call(_tc_mid_body, (N, H), y, a, W2[1], b2[1], gm[1], bt[1],
              W1_2, b1[2])
    a = _sc_agg(y, srcb, dstb, zeros)
    out = _call(_tc_fin_body, (G, 1), y, a, W2[2], b2[2], gm[2], bt[2],
                batch2, Wf, bf.reshape(1, 1))
    return out

# --- scband reference (transcript-rebuilt; emitter-appended) ---
"""Pipeline reference for scband-ginmodel-91182155694570 (READ-ONLY COPY).

The authoritative reference and input builder live on the scoring server;
editing this copy changes nothing except your own understanding.
"""

import jax, jax.numpy as jnp
import numpy as np

N_NODES = 10000
N_EDGES = 320000
D_FEAT = 128
HIDDEN = 64
NUM_CLASSES = 1
NUM_GRAPHS = 64
BN_EPS = 1e-5


def setup_inputs(seed: int = 0) -> dict:
    key = jax.random.key(seed)
    ks = [jax.random.fold_in(key, i) for i in range(40)]
    inp = {}
    inp['x'] = jax.random.normal(ks[0], (N_NODES, D_FEAT), dtype=jnp.float32)
    inp['edge_index'] = jax.random.randint(ks[1], (2, N_EDGES), 0, N_NODES, dtype=jnp.int64)
    inp['batch'] = jnp.sort(jax.random.randint(ks[2], (N_NODES,), 0, NUM_GRAPHS, dtype=jnp.int64))
    ki = 3
    dims_in = [D_FEAT, HIDDEN, HIDDEN]
    for layer in range(3):
        din = dims_in[layer]
        inp[f'W1_{layer}'] = jax.random.normal(ks[ki], (din, HIDDEN), dtype=jnp.float32) * (1.0 / np.sqrt(din)); ki += 1
        inp[f'b1_{layer}'] = jnp.zeros((HIDDEN,), dtype=jnp.float32)
        inp[f'W2_{layer}'] = jax.random.normal(ks[ki], (HIDDEN, HIDDEN), dtype=jnp.float32) * (1.0 / np.sqrt(HIDDEN)); ki += 1
        inp[f'b2_{layer}'] = jnp.zeros((HIDDEN,), dtype=jnp.float32)
        inp[f'gamma_{layer}'] = jnp.ones((HIDDEN,), dtype=jnp.float32)
        inp[f'beta_{layer}'] = jnp.zeros((HIDDEN,), dtype=jnp.float32)
    inp['Wf'] = jax.random.normal(ks[ki], (HIDDEN, NUM_CLASSES), dtype=jnp.float32) * (1.0 / np.sqrt(HIDDEN)); ki += 1
    inp['bf'] = jnp.zeros((NUM_CLASSES,), dtype=jnp.float32)
    return inp


def _gin_layer(h, edge_index, W1, b1, W2, b2, gamma, beta):
    src = edge_index[0]
    dst = edge_index[1]
    # GINConv aggregation: sum of neighbor messages scattered to dst, eps=0 => (1+eps)*x + aggr
    agg = jax.ops.segment_sum(h[src], dst, num_segments=h.shape[0])
    z = h + agg
    # MLP: Linear -> ReLU -> Linear -> ReLU
    z = jax.nn.relu(z @ W1 + b1)
    z = jax.nn.relu(z @ W2 + b2)
    # BatchNorm1d (training-mode batch statistics, biased variance)
    mean = jnp.mean(z, axis=0)
    var = jnp.var(z, axis=0)
    z = (z - mean) / jnp.sqrt(var + BN_EPS) * gamma + beta
    return jax.nn.relu(z)


def reference(x, edge_index, batch,
              W1_0, b1_0, W2_0, b2_0, gamma_0, beta_0,
              W1_1, b1_1, W2_1, b2_1, gamma_1, beta_1,
              W1_2, b1_2, W2_2, b2_2, gamma_2, beta_2,
              Wf, bf):
    h = _gin_layer(x, edge_index, W1_0, b1_0, W2_0, b2_0, gamma_0, beta_0)
    h = _gin_layer(h, edge_index, W1_1, b1_1, W2_1, b2_1, gamma_1, beta_1)
    h = _gin_layer(h, edge_index, W1_2, b1_2, W2_2, b2_2, gamma_2, beta_2)
    pooled = jax.ops.segment_sum(h, batch, num_segments=NUM_GRAPHS)
    out = pooled @ Wf + bf
    return out


if False:  # reference __main__ guard neutralized (emitter)
    inp = setup_inputs()
    out = reference(**inp)
    print(out.shape)

if __name__ == "__main__":
    import jax
    _d = setup_inputs()
    print(jax.jit(kernel)(*tuple(_d.values())))

</pallas_src>

<mosaic_0001>
#map = affine_map<(d0, d1) -> (0, 0)>
#map1 = affine_map<(d0, d1) -> (0, 0, 0)>
module attributes {stable_mosaic.version = 14 : i64} {
  func.func @_sc_agg(%arg0: i32, %arg1: i32, %arg2: memref<10000x64xf32, #tpu.memory_space<hbm>>, %arg3: memref<32x79x128xi32, #tpu.memory_space<hbm>>, %arg4: memref<32x79x128xi32, #tpu.memory_space<hbm>>, %arg5: memref<10240x64xf32, #tpu.memory_space<hbm>>, %arg6: memref<2x10240x64xf32, #tpu.memory_space<hbm>>, %arg7: memref<10240x64xf32, #tpu.memory_space<vmem_shared>>, %arg8: memref<79x128xi32, #tpu.memory_space<vmem>>, %arg9: memref<79x128xi32, #tpu.memory_space<vmem>>, %arg10: memref<128x64xf32, #tpu.memory_space<vmem>>, %arg11: memref<!tpu.dma_semaphore, #tpu.memory_space<semaphore_mem>>) attributes {dimension_semantics = [#tpu.dimension_semantics<core_parallel>, #tpu.dimension_semantics<subcore_parallel>], iteration_bounds = array<i64: 2, 16>, scalar_prefetch = 0 : i64, scratch_operands = 5 : i64, tpu.core_type = #tpu.core_type<sc_vector_subcore>, window_params = [{transform_indices = #map}, {transform_indices = #map1}, {transform_indices = #map1}, {transform_indices = #map}, {transform_indices = #map1}]} {
    %mul3A = arith.constant 16 : i32
    %mul3A_0 = arith.muli %arg0, %mul3A : i32
    %add3A = arith.addi %mul3A_0, %arg1 : i32
    %mul3A_1 = arith.constant 640 : i32
    %mul3A_2 = arith.muli %arg1, %mul3A_1 : i32
    %mul3A_3 = arith.constant 640 : i32
    %mul3A_4 = arith.muli %arg1, %mul3A_3 : i32
    "tpu.region"() ({
      %run_scoped3A = tpu.sem_alloc : memref<!tpu.dma_semaphore, #tpu.memory_space<semaphore_mem>>
      %dma_start3A = arith.constant 0 : i32
      %dma_start3A_14 = tpu.memref_slice %arg7[%mul3A_4, %dma_start3A] : memref<10240x64xf32, #tpu.memory_space<vmem_shared>> -> memref<640x64xf32, #tpu.memory_space<vmem_shared>>
      %dma_start3A_15 = arith.constant 0 : i32
      %dma_start3A_16 = tpu.memref_slice %arg5[%mul3A_2, %dma_start3A_15] : memref<10240x64xf32, #tpu.memory_space<hbm>> -> memref<640x64xf32, #tpu.memory_space<hbm>>
      tpu.enqueue_dma source(%dma_start3A_16 : memref<640x64xf32, #tpu.memory_space<hbm>>) target(%dma_start3A_14 : memref<640x64xf32, #tpu.memory_space<vmem_shared>>) target_semaphore(%run_scoped3A : memref<!tpu.dma_semaphore, #tpu.memory_space<semaphore_mem>>)
      %dma_wait3A = arith.constant 0 : i32
      %dma_wait3A_17 = tpu.memref_slice %arg7[%mul3A_4, %dma_wait3A] : memref<10240x64xf32, #tpu.memory_space<vmem_shared>> -> memref<640x64xf32, #tpu.memory_space<vmem_shared>>
      %dma_wait3A_18 = arith.constant 0 : i32
      %dma_wait3A_19 = tpu.memref_slice %arg5[%mul3A_2, %dma_wait3A_18] : memref<10240x64xf32, #tpu.memory_space<hbm>> -> memref<640x64xf32, #tpu.memory_space<hbm>>
      tpu.wait_dma2 semaphore(%run_scoped3A : memref<!tpu.dma_semaphore, #tpu.memory_space<semaphore_mem>>) src(%dma_wait3A_19 : memref<640x64xf32, #tpu.memory_space<hbm>>) dst(%dma_wait3A_17 : memref<640x64xf32, #tpu.memory_space<vmem_shared>>)
      tpu.yield
    }) : () -> ()
    "tpu.region"() ({
      %run_scoped3A = tpu.sem_alloc : memref<!tpu.dma_semaphore, #tpu.memory_space<semaphore_mem>>
      %dma_start3A = arith.constant 0 : i32
      %dma_start3A_14 = arith.constant 0 : i32
      %dma_start3A_15 = tpu.memref_slice %arg3[%add3A, %dma_start3A, %dma_start3A_14] : memref<32x79x128xi32, #tpu.memory_space<hbm>> -> memref<1x79x128xi32, #tpu.memory_space<hbm>>
      %dma_start3A_16 = tpu.memref_squeeze %dma_start3A_15 : memref<1x79x128xi32, #tpu.memory_space<hbm>> -> memref<79x128xi32, #tpu.memory_space<hbm>>
      %dma_start3A_17 = arith.constant 0 : i32
      %dma_start3A_18 = arith.constant 0 : i32
      %dma_start3A_19 = tpu.memref_slice %arg3[%add3A, %dma_start3A_17, %dma_start3A_18] : memref<32x79x128xi32, #tpu.memory_space<hbm>> -> memref<1x79x128xi32, #tpu.memory_space<hbm>>
      %dma_start3A_20 = tpu.memref_squeeze %dma_start3A_19 : memref<1x79x128xi32, #tpu.memory_space<hbm>> -> memref<79x128xi32, #tpu.memory_space<hbm>>
      tpu.enqueue_dma source(%dma_start3A_20 : memref<79x128xi32, #tpu.memory_space<hbm>>) target(%arg8 : memref<79x128xi32, #tpu.memory_space<vmem>>) target_semaphore(%run_scoped3A : memref<!tpu.dma_semaphore, #tpu.memory_space<semaphore_mem>>)
      %dma_wait3A = arith.constant 0 : i32
      %dma_wait3A_21 = arith.constant 0 : i32
      %dma_wait3A_22 = tpu.memref_slice %arg3[%add3A, %dma_wait3A, %dma_wait3A_21] : memref<32x79x128xi32, #tpu.memory_space<hbm>> -> memref<1x79x128xi32, #tpu.memory_space<hbm>>
      %dma_wait3A_23 = tpu.memref_squeeze %dma_wait3A_22 : memref<1x79x128xi32, #tpu.memory_space<hbm>> -> memref<79x128xi32, #tpu.memory_space<hbm>>
      %dma_wait3A_24 = arith.constant 0 : i32
      %dma_wait3A_25 = arith.constant 0 : i32
      %dma_wait3A_26 = tpu.memref_slice %arg3[%add3A, %dma_wait3A_24, %dma_wait3A_25] : memref<32x79x128xi32, #tpu.memory_space<hbm>> -> memref<1x79x128xi32, #tpu.memory_space<hbm>>
      %dma_wait3A_27 = tpu.memref_squeeze %dma_wait3A_26 : memref<1x79x128xi32, #tpu.memory_space<hbm>> -> memref<79x128xi32, #tpu.memory_space<hbm>>
      tpu.wait_dma2 semaphore(%run_scoped3A : memref<!tpu.dma_semaphore, #tpu.memory_space<semaphore_mem>>) src(%dma_wait3A_27 : memref<79x128xi32, #tpu.memory_space<hbm>>) dst(%arg8 : memref<79x128xi32, #tpu.memory_space<vmem>>)
      tpu.yield
    }) : () -> ()
    "tpu.region"() ({
      %run_scoped3A = tpu.sem_alloc : memref<!tpu.dma_semaphore, #tpu.memory_space<semaphore_mem>>
      %dma_start3A = arith.constant 0 : i32
      %dma_start3A_14 = arith.constant 0 : i32
      %dma_start3A_15 = tpu.memref_slice %arg4[%add3A, %dma_start3A, %dma_start3A_14] : memref<32x79x128xi32, #tpu.memory_space<hbm>> -> memref<1x79x128xi32, #tpu.memory_space<hbm>>
      %dma_start3A_16 = tpu.memref_squeeze %dma_start3A_15 : memref<1x79x128xi32, #tpu.memory_space<hbm>> -> memref<79x128xi32, #tpu.memory_space<hbm>>
      %dma_start3A_17 = arith.constant 0 : i32
      %dma_start3A_18 = arith.constant 0 : i32
      %dma_start3A_19 = tpu.memref_slice %arg4[%add3A, %dma_start3A_17, %dma_start3A_18] : memref<32x79x128xi32, #tpu.memory_space<hbm>> -> memref<1x79x128xi32, #tpu.memory_space<hbm>>
      %dma_start3A_20 = tpu.memref_squeeze %dma_start3A_19 : memref<1x79x128xi32, #tpu.memory_space<hbm>> -> memref<79x128xi32, #tpu.memory_space<hbm>>
      tpu.enqueue_dma source(%dma_start3A_20 : memref<79x128xi32, #tpu.memory_space<hbm>>) target(%arg9 : memref<79x128xi32, #tpu.memory_space<vmem>>) target_semaphore(%run_scoped3A : memref<!tpu.dma_semaphore, #tpu.memory_space<semaphore_mem>>)
      %dma_wait3A = arith.constant 0 : i32
      %dma_wait3A_21 = arith.constant 0 : i32
      %dma_wait3A_22 = tpu.memref_slice %arg4[%add3A, %dma_wait3A, %dma_wait3A_21] : memref<32x79x128xi32, #tpu.memory_space<hbm>> -> memref<1x79x128xi32, #tpu.memory_space<hbm>>
      %dma_wait3A_23 = tpu.memref_squeeze %dma_wait3A_22 : memref<1x79x128xi32, #tpu.memory_space<hbm>> -> memref<79x128xi32, #tpu.memory_space<hbm>>
      %dma_wait3A_24 = arith.constant 0 : i32
      %dma_wait3A_25 = arith.constant 0 : i32
      %dma_wait3A_26 = tpu.memref_slice %arg4[%add3A, %dma_wait3A_24, %dma_wait3A_25] : memref<32x79x128xi32, #tpu.memory_space<hbm>> -> memref<1x79x128xi32, #tpu.memory_space<hbm>>
      %dma_wait3A_27 = tpu.memref_squeeze %dma_wait3A_26 : memref<1x79x128xi32, #tpu.memory_space<hbm>> -> memref<79x128xi32, #tpu.memory_space<hbm>>
      tpu.wait_dma2 semaphore(%run_scoped3A : memref<!tpu.dma_semaphore, #tpu.memory_space<semaphore_mem>>) src(%dma_wait3A_27 : memref<79x128xi32, #tpu.memory_space<hbm>>) dst(%arg9 : memref<79x128xi32, #tpu.memory_space<vmem>>)
      tpu.yield
    }) : () -> ()
    %barrier3A = arith.constant 0 : index
    tpu.barrier barrier_id(%barrier3A)
    %scan3A = arith.constant 0 : i32
    %scan3A_5 = arith.constant 79 : i32
    %scan3A_6 = arith.addi %scan3A, %scan3A_5 : i32
    %scan3A_7 = arith.constant 1 : i32
    scf.for %scan3A_14 = %scan3A to %scan3A_6 step %scan3A_7  : i32 {
      %mul3A_15 = arith.constant 1 : i32
      %mul3A_16 = arith.muli %scan3A_14, %mul3A_15 : i32
      %add3A_17 = arith.constant 0 : i32
      %add3A_18 = arith.addi %add3A_17, %mul3A_16 : i32
      %dma_start3A = arith.constant 0 : i32
      %dma_start3A_19 = tpu.memref_slice %arg8[%add3A_18, %dma_start3A] : memref<79x128xi32, #tpu.memory_space<vmem>> -> memref<1x128xi32, #tpu.memory_space<vmem>>
      %dma_start3A_20 = tpu.memref_squeeze %dma_start3A_19 : memref<1x128xi32, #tpu.memory_space<vmem>> -> memref<128xi32, #tpu.memory_space<vmem>>
      %dma_start3A_21 = arith.constant 0 : i32
      %dma_start3A_22 = arith.constant 0 : i32
      %dma_start3A_23 = tpu.memref_slice %arg2[%dma_start3A_21, %dma_start3A_22] : memref<10000x64xf32, #tpu.memory_space<hbm>> -> memref<10000x64xf32, #tpu.memory_space<hbm>>
      tpu.enqueue_indirect_dma source(%dma_start3A_23 : memref<10000x64xf32, #tpu.memory_space<hbm>>) target(%arg10 : memref<128x64xf32, #tpu.memory_space<vmem>>) offsets(%dma_start3A_20 : memref<128xi32, #tpu.memory_space<vmem>>) semaphore(%arg11 : memref<!tpu.dma_semaphore, #tpu.memory_space<semaphore_mem>>)
      %dma_wait3A = arith.constant 0 : i32
      %dma_wait3A_24 = tpu.memref_slice %arg8[%add3A_18, %dma_wait3A] : memref<79x128xi32, #tpu.memory_space<vmem>> -> memref<1x128xi32, #tpu.memory_space<vmem>>
      %dma_wait3A_25 = tpu.memref_squeeze %dma_wait3A_24 : memref<1x128xi32, #tpu.memory_space<vmem>> -> memref<128xi32, #tpu.memory_space<vmem>>
      %dma_wait3A_26 = arith.constant 0 : i32
      %dma_wait3A_27 = arith.constant 0 : i32
      %dma_wait3A_28 = tpu.memref_slice %arg2[%dma_wait3A_26, %dma_wait3A_27] : memref<10000x64xf32, #tpu.memory_space<hbm>> -> memref<10000x64xf32, #tpu.memory_space<hbm>>
      tpu.wait_indirect_dma semaphore(%arg11 : memref<!tpu.dma_semaphore, #tpu.memory_space<semaphore_mem>>) src(%dma_wait3A_28 : memref<10000x64xf32, #tpu.memory_space<hbm>>) dst(%arg10 : memref<128x64xf32, #tpu.memory_space<vmem>>)
      "tpu.region"() ({
        %run_scoped3A = tpu.sem_alloc : memref<!tpu.dma_semaphore, #tpu.memory_space<semaphore_mem>>
        %dma_start3A_29 = arith.constant 0 : i32
        %dma_start3A_30 = tpu.memref_slice %arg9[%add3A_18, %dma_start3A_29] : memref<79x128xi32, #tpu.memory_space<vmem>> -> memref<1x128xi32, #tpu.memory_space<vmem>>
        %dma_start3A_31 = tpu.memref_squeeze %dma_start3A_30 : memref<1x128xi32, #tpu.memory_space<vmem>> -> memref<128xi32, #tpu.memory_space<vmem>>
        %dma_start3A_32 = arith.constant 0 : i32
        %dma_start3A_33 = arith.constant 0 : i32
        %dma_start3A_34 = tpu.memref_slice %arg7[%dma_start3A_32, %dma_start3A_33] : memref<10240x64xf32, #tpu.memory_space<vmem_shared>> -> memref<10240x64xf32, #tpu.memory_space<vmem_shared>>
        tpu.enqueue_indirect_dma source(%arg10 : memref<128x64xf32, #tpu.memory_space<vmem>>) target(%dma_start3A_34 : memref<10240x64xf32, #tpu.memory_space<vmem_shared>>) offsets(%dma_start3A_31 : memref<128xi32, #tpu.memory_space<vmem>>) semaphore(%run_scoped3A : memref<!tpu.dma_semaphore, #tpu.memory_space<semaphore_mem>>) {add = true}
        %dma_wait3A_35 = arith.constant 0 : i32
        %dma_wait3A_36 = tpu.memref_slice %arg9[%add3A_18, %dma_wait3A_35] : memref<79x128xi32, #tpu.memory_space<vmem>> -> memref<1x128xi32, #tpu.memory_space<vmem>>
        %dma_wait3A_37 = tpu.memref_squeeze %dma_wait3A_36 : memref<1x128xi32, #tpu.memory_space<vmem>> -> memref<128xi32, #tpu.memory_space<vmem>>
        %dma_wait3A_38 = arith.constant 0 : i32
        %dma_wait3A_39 = arith.constant 0 : i32
        %dma_wait3A_40 = tpu.memref_slice %arg7[%dma_wait3A_38, %dma_wait3A_39] : memref<10240x64xf32, #tpu.memory_space<vmem_shared>> -> memref<10240x64xf32, #tpu.memory_space<vmem_shared>>
        tpu.wait_indirect_dma semaphore(%run_scoped3A : memref<!tpu.dma_semaphore, #tpu.memory_space<semaphore_mem>>) src(%arg10 : memref<128x64xf32, #tpu.memory_space<vmem>>) dst(%dma_wait3A_40 : memref<10240x64xf32, #tpu.memory_space<vmem_shared>>)
        tpu.yield
      }) : () -> ()
    }
    %scan3A_8 = arith.constant 79 : i32
    %barrier3A_9 = arith.constant 0 : index
    tpu.barrier barrier_id(%barrier3A_9)
    %mul3A_10 = arith.constant 640 : i32
    %mul3A_11 = arith.muli %arg1, %mul3A_10 : i32
    %mul3A_12 = arith.constant 640 : i32
    %mul3A_13 = arith.muli %arg1, %mul3A_12 : i32
    "tpu.region"() ({
      %run_scoped3A = tpu.sem_alloc : memref<!tpu.dma_semaphore, #tpu.memory_space<semaphore_mem>>
      %dma_start3A = arith.constant 0 : i32
      %dma_start3A_14 = tpu.memref_slice %arg6[%arg0, %mul3A_13, %dma_start3A] : memref<2x10240x64xf32, #tpu.memory_space<hbm>> -> memref<1x640x64xf32, #tpu.memory_space<hbm>>
      %dma_start3A_15 = tpu.memref_squeeze %dma_start3A_14 : memref<1x640x64xf32, #tpu.memory_space<hbm>> -> memref<640x64xf32, #tpu.memory_space<hbm>>
      %dma_start3A_16 = arith.constant 0 : i32
      %dma_start3A_17 = tpu.memref_slice %arg7[%mul3A_11, %dma_start3A_16] : memref<10240x64xf32, #tpu.memory_space<vmem_shared>> -> memref<640x64xf32, #tpu.memory_space<vmem_shared>>
      tpu.enqueue_dma source(%dma_start3A_17 : memref<640x64xf32, #tpu.memory_space<vmem_shared>>) target(%dma_start3A_15 : memref<640x64xf32, #tpu.memory_space<hbm>>) target_semaphore(%run_scoped3A : memref<!tpu.dma_semaphore, #tpu.memory_space<semaphore_mem>>)
      %dma_wait3A = arith.constant 0 : i32
      %dma_wait3A_18 = tpu.memref_slice %arg6[%arg0, %mul3A_13, %dma_wait3A] : memref<2x10240x64xf32, #tpu.memory_space<hbm>> -> memref<1x640x64xf32, #tpu.memory_space<hbm>>
      %dma_wait3A_19 = tpu.memref_squeeze %dma_wait3A_18 : memref<1x640x64xf32, #tpu.memory_space<hbm>> -> memref<640x64xf32, #tpu.memory_space<hbm>>
      %dma_wait3A_20 = arith.constant 0 : i32
      %dma_wait3A_21 = tpu.memref_slice %arg7[%mul3A_11, %dma_wait3A_20] : memref<10240x64xf32, #tpu.memory_space<vmem_shared>> -> memref<640x64xf32, #tpu.memory_space<vmem_shared>>
      tpu.wait_dma2 semaphore(%run_scoped3A : memref<!tpu.dma_semaphore, #tpu.memory_space<semaphore_mem>>) src(%dma_wait3A_21 : memref<640x64xf32, #tpu.memory_space<vmem_shared>>) dst(%dma_wait3A_19 : memref<640x64xf32, #tpu.memory_space<hbm>>)
      tpu.yield
    }) : () -> ()
    return
  }
}

#map = affine_map<(d0, d1) -> (0, 0)>
#map1 = affine_map<(d0, d1) -> (0, 0, 0)>
module attributes {stable_mosaic.version = 14 : i64} {
  func.func @_sc_agg(%arg0: i32, %arg1: i32, %arg2: memref<10000x64xf32, #tpu.memory_space<hbm>>, %arg3: memref<32x79x128xi32, #tpu.memory_space<hbm>>, %arg4: memref<32x79x128xi32, #tpu.memory_space<hbm>>, %arg5: memref<10240x64xf32, #tpu.memory_space<hbm>>, %arg6: memref<2x10240x64xf32, #tpu.memory_space<hbm>>, %arg7: memref<10240x64xf32, #tpu.memory_space<vmem_shared>>, %arg8: memref<79x128xi32, #tpu.memory_space<vmem>>, %arg9: memref<79x128xi32, #tpu.memory_space<vmem>>, %arg10: memref<128x64xf32, #tpu.memory_space<vmem>>, %arg11: memref<!tpu.dma_semaphore, #tpu.memory_space<semaphore_mem>>) attributes {dimension_semantics = [#tpu.dimension_semantics<core_parallel>, #tpu.dimension_semantics<subcore_parallel>], iteration_bounds = array<i64: 2, 16>, scalar_prefetch = 0 : i64, scratch_operands = 5 : i64, tpu.core_type = #tpu.core_type<sc_vector_subcore>, window_params = [{transform_indices = #map}, {transform_indices = #map1}, {transform_indices = #map1}, {transform_indices = #map}, {transform_indices = #map1}]} {
    %mul3A = arith.constant 16 : i32
    %mul3A_0 = arith.muli %arg0, %mul3A : i32
    %add3A = arith.addi %mul3A_0, %arg1 : i32
    %mul3A_1 = arith.constant 640 : i32
    %mul3A_2 = arith.muli %arg1, %mul3A_1 : i32
    %mul3A_3 = arith.constant 640 : i32
    %mul3A_4 = arith.muli %arg1, %mul3A_3 : i32
    "tpu.region"() ({
      %run_scoped3A = tpu.sem_alloc : memref<!tpu.dma_semaphore, #tpu.memory_space<semaphore_mem>>
      %dma_start3A = arith.constant 0 : i32
      %dma_start3A_14 = tpu.memref_slice %arg7[%mul3A_4, %dma_start3A] : memref<10240x64xf32, #tpu.memory_space<vmem_shared>> -> memref<640x64xf32, #tpu.memory_space<vmem_shared>>
      %dma_start3A_15 = arith.constant 0 : i32
      %dma_start3A_16 = tpu.memref_slice %arg5[%mul3A_2, %dma_start3A_15] : memref<10240x64xf32, #tpu.memory_space<hbm>> -> memref<640x64xf32, #tpu.memory_space<hbm>>
      tpu.enqueue_dma source(%dma_start3A_16 : memref<640x64xf32, #tpu.memory_space<hbm>>) target(%dma_start3A_14 : memref<640x64xf32, #tpu.memory_space<vmem_shared>>) target_semaphore(%run_scoped3A : memref<!tpu.dma_semaphore, #tpu.memory_space<semaphore_mem>>)
      %dma_wait3A = arith.constant 0 : i32
      %dma_wait3A_17 = tpu.memref_slice %arg7[%mul3A_4, %dma_wait3A] : memref<10240x64xf32, #tpu.memory_space<vmem_shared>> -> memref<640x64xf32, #tpu.memory_space<vmem_shared>>
      %dma_wait3A_18 = arith.constant 0 : i32
      %dma_wait3A_19 = tpu.memref_slice %arg5[%mul3A_2, %dma_wait3A_18] : memref<10240x64xf32, #tpu.memory_space<hbm>> -> memref<640x64xf32, #tpu.memory_space<hbm>>
      tpu.wait_dma2 semaphore(%run_scoped3A : memref<!tpu.dma_semaphore, #tpu.memory_space<semaphore_mem>>) src(%dma_wait3A_19 : memref<640x64xf32, #tpu.memory_space<hbm>>) dst(%dma_wait3A_17 : memref<640x64xf32, #tpu.memory_space<vmem_shared>>)
      tpu.yield
    }) : () -> ()
    "tpu.region"() ({
      %run_scoped3A = tpu.sem_alloc : memref<!tpu.dma_semaphore, #tpu.memory_space<semaphore_mem>>
      %dma_start3A = arith.constant 0 : i32
      %dma_start3A_14 = arith.constant 0 : i32
      %dma_start3A_15 = tpu.memref_slice %arg3[%add3A, %dma_start3A, %dma_start3A_14] : memref<32x79x128xi32, #tpu.memory_space<hbm>> -> memref<1x79x128xi32, #tpu.memory_space<hbm>>
      %dma_start3A_16 = tpu.memref_squeeze %dma_start3A_15 : memref<1x79x128xi32, #tpu.memory_space<hbm>> -> memref<79x128xi32, #tpu.memory_space<hbm>>
      %dma_start3A_17 = arith.constant 0 : i32
      %dma_start3A_18 = arith.constant 0 : i32
      %dma_start3A_19 = tpu.memref_slice %arg3[%add3A, %dma_start3A_17, %dma_start3A_18] : memref<32x79x128xi32, #tpu.memory_space<hbm>> -> memref<1x79x128xi32, #tpu.memory_space<hbm>>
      %dma_start3A_20 = tpu.memref_squeeze %dma_start3A_19 : memref<1x79x128xi32, #tpu.memory_space<hbm>> -> memref<79x128xi32, #tpu.memory_space<hbm>>
      tpu.enqueue_dma source(%dma_start3A_20 : memref<79x128xi32, #tpu.memory_space<hbm>>) target(%arg8 : memref<79x128xi32, #tpu.memory_space<vmem>>) target_semaphore(%run_scoped3A : memref<!tpu.dma_semaphore, #tpu.memory_space<semaphore_mem>>)
      %dma_wait3A = arith.constant 0 : i32
      %dma_wait3A_21 = arith.constant 0 : i32
      %dma_wait3A_22 = tpu.memref_slice %arg3[%add3A, %dma_wait3A, %dma_wait3A_21] : memref<32x79x128xi32, #tpu.memory_space<hbm>> -> memref<1x79x128xi32, #tpu.memory_space<hbm>>
      %dma_wait3A_23 = tpu.memref_squeeze %dma_wait3A_22 : memref<1x79x128xi32, #tpu.memory_space<hbm>> -> memref<79x128xi32, #tpu.memory_space<hbm>>
      %dma_wait3A_24 = arith.constant 0 : i32
      %dma_wait3A_25 = arith.constant 0 : i32
      %dma_wait3A_26 = tpu.memref_slice %arg3[%add3A, %dma_wait3A_24, %dma_wait3A_25] : memref<32x79x128xi32, #tpu.memory_space<hbm>> -> memref<1x79x128xi32, #tpu.memory_space<hbm>>
      %dma_wait3A_27 = tpu.memref_squeeze %dma_wait3A_26 : memref<1x79x128xi32, #tpu.memory_space<hbm>> -> memref<79x128xi32, #tpu.memory_space<hbm>>
      tpu.wait_dma2 semaphore(%run_scoped3A : memref<!tpu.dma_semaphore, #tpu.memory_space<semaphore_mem>>) src(%dma_wait3A_27 : memref<79x128xi32, #tpu.memory_space<hbm>>) dst(%arg8 : memref<79x128xi32, #tpu.memory_space<vmem>>)
      tpu.yield
    }) : () -> ()
    "tpu.region"() ({
      %run_scoped3A = tpu.sem_alloc : memref<!tpu.dma_semaphore, #tpu.memory_space<semaphore_mem>>
      %dma_start3A = arith.constant 0 : i32
      %dma_start3A_14 = arith.constant 0 : i32
      %dma_start3A_15 = tpu.memref_slice %arg4[%add3A, %dma_start3A, %dma_start3A_14] : memref<32x79x128xi32, #tpu.memory_space<hbm>> -> memref<1x79x128xi32, #tpu.memory_space<hbm>>
      %dma_start3A_16 = tpu.memref_squeeze %dma_start3A_15 : memref<1x79x128xi32, #tpu.memory_space<hbm>> -> memref<79x128xi32, #tpu.memory_space<hbm>>
      %dma_start3A_17 = arith.constant 0 : i32
      %dma_start3A_18 = arith.constant 0 : i32
      %dma_start3A_19 = tpu.memref_slice %arg4[%add3A, %dma_start3A_17, %dma_start3A_18] : memref<32x79x128xi32, #tpu.memory_space<hbm>> -> memref<1x79x128xi32, #tpu.memory_space<hbm>>
      %dma_start3A_20 = tpu.memref_squeeze %dma_start3A_19 : memref<1x79x128xi32, #tpu.memory_space<hbm>> -> memref<79x128xi32, #tpu.memory_space<hbm>>
      tpu.enqueue_dma source(%dma_start3A_20 : memref<79x128xi32, #tpu.memory_space<hbm>>) target(%arg9 : memref<79x128xi32, #tpu.memory_space<vmem>>) target_semaphore(%run_scoped3A : memref<!tpu.dma_semaphore, #tpu.memory_space<semaphore_mem>>)
      %dma_wait3A = arith.constant 0 : i32
      %dma_wait3A_21 = arith.constant 0 : i32
      %dma_wait3A_22 = tpu.memref_slice %arg4[%add3A, %dma_wait3A, %dma_wait3A_21] : memref<32x79x128xi32, #tpu.memory_space<hbm>> -> memref<1x79x128xi32, #tpu.memory_space<hbm>>
      %dma_wait3A_23 = tpu.memref_squeeze %dma_wait3A_22 : memref<1x79x128xi32, #tpu.memory_space<hbm>> -> memref<79x128xi32, #tpu.memory_space<hbm>>
      %dma_wait3A_24 = arith.constant 0 : i32
      %dma_wait3A_25 = arith.constant 0 : i32
      %dma_wait3A_26 = tpu.memref_slice %arg4[%add3A, %dma_wait3A_24, %dma_wait3A_25] : memref<32x79x128xi32, #tpu.memory_space<hbm>> -> memref<1x79x128xi32, #tpu.memory_space<hbm>>
      %dma_wait3A_27 = tpu.memref_squeeze %dma_wait3A_26 : memref<1x79x128xi32, #tpu.memory_space<hbm>> -> memref<79x128xi32, #tpu.memory_space<hbm>>
      tpu.wait_dma2 semaphore(%run_scoped3A : memref<!tpu.dma_semaphore, #tpu.memory_space<semaphore_mem>>) src(%dma_wait3A_27 : memref<79x128xi32, #tpu.memory_space<hbm>>) dst(%arg9 : memref<79x128xi32, #tpu.memory_space<vmem>>)
      tpu.yield
    }) : () -> ()
    %barrier3A = arith.constant 0 : index
    tpu.barrier barrier_id(%barrier3A)
    %scan3A = arith.constant 0 : i32
    %scan3A_5 = arith.constant 79 : i32
    %scan3A_6 = arith.addi %scan3A, %scan3A_5 : i32
    %scan3A_7 = arith.constant 1 : i32
    scf.for %scan3A_14 = %scan3A to %scan3A_6 step %scan3A_7  : i32 {
      %mul3A_15 = arith.constant 1 : i32
      %mul3A_16 = arith.muli %scan3A_14, %mul3A_15 : i32
      %add3A_17 = arith.constant 0 : i32
      %add3A_18 = arith.addi %add3A_17, %mul3A_16 : i32
      %dma_start3A = arith.constant 0 : i32
      %dma_start3A_19 = tpu.memref_slice %arg8[%add3A_18, %dma_start3A] : memref<79x128xi32, #tpu.memory_space<vmem>> -> memref<1x128xi32, #tpu.memory_space<vmem>>
      %dma_start3A_20 = tpu.memref_squeeze %dma_start3A_19 : memref<1x128xi32, #tpu.memory_space<vmem>> -> memref<128xi32, #tpu.memory_space<vmem>>
      %dma_start3A_21 = arith.constant 0 : i32
      %dma_start3A_22 = arith.constant 0 : i32
      %dma_start3A_23 = tpu.memref_slice %arg2[%dma_start3A_21, %dma_start3A_22] : memref<10000x64xf32, #tpu.memory_space<hbm>> -> memref<10000x64xf32, #tpu.memory_space<hbm>>
      tpu.enqueue_indirect_dma source(%dma_start3A_23 : memref<10000x64xf32, #tpu.memory_space<hbm>>) target(%arg10 : memref<128x64xf32, #tpu.memory_space<vmem>>) offsets(%dma_start3A_20 : memref<128xi32, #tpu.memory_space<vmem>>) semaphore(%arg11 : memref<!tpu.dma_semaphore, #tpu.memory_space<semaphore_mem>>)
      %dma_wait3A = arith.constant 0 : i32
      %dma_wait3A_24 = tpu.memref_slice %arg8[%add3A_18, %dma_wait3A] : memref<79x128xi32, #tpu.memory_space<vmem>> -> memref<1x128xi32, #tpu.memory_space<vmem>>
      %dma_wait3A_25 = tpu.memref_squeeze %dma_wait3A_24 : memref<1x128xi32, #tpu.memory_space<vmem>> -> memref<128xi32, #tpu.memory_space<vmem>>
      %dma_wait3A_26 = arith.constant 0 : i32
      %dma_wait3A_27 = arith.constant 0 : i32
      %dma_wait3A_28 = tpu.memref_slice %arg2[%dma_wait3A_26, %dma_wait3A_27] : memref<10000x64xf32, #tpu.memory_space<hbm>> -> memref<10000x64xf32, #tpu.memory_space<hbm>>
      tpu.wait_indirect_dma semaphore(%arg11 : memref<!tpu.dma_semaphore, #tpu.memory_space<semaphore_mem>>) src(%dma_wait3A_28 : memref<10000x64xf32, #tpu.memory_space<hbm>>) dst(%arg10 : memref<128x64xf32, #tpu.memory_space<vmem>>)
      "tpu.region"() ({
        %run_scoped3A = tpu.sem_alloc : memref<!tpu.dma_semaphore, #tpu.memory_space<semaphore_mem>>
        %dma_start3A_29 = arith.constant 0 : i32
        %dma_start3A_30 = tpu.memref_slice %arg9[%add3A_18, %dma_start3A_29] : memref<79x128xi32, #tpu.memory_space<vmem>> -> memref<1x128xi32, #tpu.memory_space<vmem>>
        %dma_start3A_31 = tpu.memref_squeeze %dma_start3A_30 : memref<1x128xi32, #tpu.memory_space<vmem>> -> memref<128xi32, #tpu.memory_space<vmem>>
        %dma_start3A_32 = arith.constant 0 : i32
        %dma_start3A_33 = arith.constant 0 : i32
        %dma_start3A_34 = tpu.memref_slice %arg7[%dma_start3A_32, %dma_start3A_33] : memref<10240x64xf32, #tpu.memory_space<vmem_shared>> -> memref<10240x64xf32, #tpu.memory_space<vmem_shared>>
        tpu.enqueue_indirect_dma source(%arg10 : memref<128x64xf32, #tpu.memory_space<vmem>>) target(%dma_start3A_34 : memref<10240x64xf32, #tpu.memory_space<vmem_shared>>) offsets(%dma_start3A_31 : memref<128xi32, #tpu.memory_space<vmem>>) semaphore(%run_scoped3A : memref<!tpu.dma_semaphore, #tpu.memory_space<semaphore_mem>>) {add = true}
        %dma_wait3A_35 = arith.constant 0 : i32
        %dma_wait3A_36 = tpu.memref_slice %arg9[%add3A_18, %dma_wait3A_35] : memref<79x128xi32, #tpu.memory_space<vmem>> -> memref<1x128xi32, #tpu.memory_space<vmem>>
        %dma_wait3A_37 = tpu.memref_squeeze %dma_wait3A_36 : memref<1x128xi32, #tpu.memory_space<vmem>> -> memref<128xi32, #tpu.memory_space<vmem>>
        %dma_wait3A_38 = arith.constant 0 : i32
        %dma_wait3A_39 = arith.constant 0 : i32
        %dma_wait3A_40 = tpu.memref_slice %arg7[%dma_wait3A_38, %dma_wait3A_39] : memref<10240x64xf32, #tpu.memory_space<vmem_shared>> -> memref<10240x64xf32, #tpu.memory_space<vmem_shared>>
        tpu.wait_indirect_dma semaphore(%run_scoped3A : memref<!tpu.dma_semaphore, #tpu.memory_space<semaphore_mem>>) src(%arg10 : memref<128x64xf32, #tpu.memory_space<vmem>>) dst(%dma_wait3A_40 : memref<10240x64xf32, #tpu.memory_space<vmem_shared>>)
        tpu.yield
      }) : () -> ()
    }
    %scan3A_8 = arith.constant 79 : i32
    %barrier3A_9 = arith.constant 0 : index
    tpu.barrier barrier_id(%barrier3A_9)
    %mul3A_10 = arith.constant 640 : i32
    %mul3A_11 = arith.muli %arg1, %mul3A_10 : i32
    %mul3A_12 = arith.constant 640 : i32
    %mul3A_13 = arith.muli %arg1, %mul3A_12 : i32
    "tpu.region"() ({
      %run_scoped3A = tpu.sem_alloc : memref<!tpu.dma_semaphore, #tpu.memory_space<semaphore_mem>>
      %dma_start3A = arith.constant 0 : i32
      %dma_start3A_14 = tpu.memref_slice %arg6[%arg0, %mul3A_13, %dma_start3A] : memref<2x10240x64xf32, #tpu.memory_space<hbm>> -> memref<1x640x64xf32, #tpu.memory_space<hbm>>
      %dma_start3A_15 = tpu.memref_squeeze %dma_start3A_14 : memref<1x640x64xf32, #tpu.memory_space<hbm>> -> memref<640x64xf32, #tpu.memory_space<hbm>>
      %dma_start3A_16 = arith.constant 0 : i32
      %dma_start3A_17 = tpu.memref_slice %arg7[%mul3A_11, %dma_start3A_16] : memref<10240x64xf32, #tpu.memory_space<vmem_shared>> -> memref<640x64xf32, #tpu.memory_space<vmem_shared>>
      tpu.enqueue_dma source(%dma_start3A_17 : memref<640x64xf32, #tpu.memory_space<vmem_shared>>) target(%dma_start3A_15 : memref<640x64xf32, #tpu.memory_space<hbm>>) target_semaphore(%run_scoped3A : memref<!tpu.dma_semaphore, #tpu.memory_space<semaphore_mem>>)
      %dma_wait3A = arith.constant 0 : i32
      %dma_wait3A_18 = tpu.memref_slice %arg6[%arg0, %mul3A_13, %dma_wait3A] : memref<2x10240x64xf32, #tpu.memory_space<hbm>> -> memref<1x640x64xf32, #tpu.memory_space<hbm>>
      %dma_wait3A_19 = tpu.memref_squeeze %dma_wait3A_18 : memref<1x640x64xf32, #tpu.memory_space<hbm>> -> memref<640x64xf32, #tpu.memory_space<hbm>>
      %dma_wait3A_20 = arith.constant 0 : i32
      %dma_wait3A_21 = tpu.memref_slice %arg7[%mul3A_11, %dma_wait3A_20] : memref<10240x64xf32, #tpu.memory_space<vmem_shared>> -> memref<640x64xf32, #tpu.memory_space<vmem_shared>>
      tpu.wait_dma2 semaphore(%run_scoped3A : memref<!tpu.dma_semaphore, #tpu.memory_space<semaphore_mem>>) src(%dma_wait3A_21 : memref<640x64xf32, #tpu.memory_space<vmem_shared>>) dst(%dma_wait3A_19 : memref<640x64xf32, #tpu.memory_space<hbm>>)
      tpu.yield
    }) : () -> ()
    return
  }
}

#map = affine_map<(d0, d1) -> (0, 0)>
#map1 = affine_map<(d0, d1) -> (0, 0, 0)>
module attributes {stable_mosaic.version = 14 : i64} {
  func.func @_sc_agg(%arg0: i32, %arg1: i32, %arg2: memref<10000x64xf32, #tpu.memory_space<hbm>>, %arg3: memref<32x79x128xi32, #tpu.memory_space<hbm>>, %arg4: memref<32x79x128xi32, #tpu.memory_space<hbm>>, %arg5: memref<10240x64xf32, #tpu.memory_space<hbm>>, %arg6: memref<2x10240x64xf32, #tpu.memory_space<hbm>>, %arg7: memref<10240x64xf32, #tpu.memory_space<vmem_shared>>, %arg8: memref<79x128xi32, #tpu.memory_space<vmem>>, %arg9: memref<79x128xi32, #tpu.memory_space<vmem>>, %arg10: memref<128x64xf32, #tpu.memory_space<vmem>>, %arg11: memref<!tpu.dma_semaphore, #tpu.memory_space<semaphore_mem>>) attributes {dimension_semantics = [#tpu.dimension_semantics<core_parallel>, #tpu.dimension_semantics<subcore_parallel>], iteration_bounds = array<i64: 2, 16>, scalar_prefetch = 0 : i64, scratch_operands = 5 : i64, tpu.core_type = #tpu.core_type<sc_vector_subcore>, window_params = [{transform_indices = #map}, {transform_indices = #map1}, {transform_indices = #map1}, {transform_indices = #map}, {transform_indices = #map1}]} {
    %mul3A = arith.constant 16 : i32
    %mul3A_0 = arith.muli %arg0, %mul3A : i32
    %add3A = arith.addi %mul3A_0, %arg1 : i32
    %mul3A_1 = arith.constant 640 : i32
    %mul3A_2 = arith.muli %arg1, %mul3A_1 : i32
    %mul3A_3 = arith.constant 640 : i32
    %mul3A_4 = arith.muli %arg1, %mul3A_3 : i32
    "tpu.region"() ({
      %run_scoped3A = tpu.sem_alloc : memref<!tpu.dma_semaphore, #tpu.memory_space<semaphore_mem>>
      %dma_start3A = arith.constant 0 : i32
      %dma_start3A_14 = tpu.memref_slice %arg7[%mul3A_4, %dma_start3A] : memref<10240x64xf32, #tpu.memory_space<vmem_shared>> -> memref<640x64xf32, #tpu.memory_space<vmem_shared>>
      %dma_start3A_15 = arith.constant 0 : i32
      %dma_start3A_16 = tpu.memref_slice %arg5[%mul3A_2, %dma_start3A_15] : memref<10240x64xf32, #tpu.memory_space<hbm>> -> memref<640x64xf32, #tpu.memory_space<hbm>>
      tpu.enqueue_dma source(%dma_start3A_16 : memref<640x64xf32, #tpu.memory_space<hbm>>) target(%dma_start3A_14 : memref<640x64xf32, #tpu.memory_space<vmem_shared>>) target_semaphore(%run_scoped3A : memref<!tpu.dma_semaphore, #tpu.memory_space<semaphore_mem>>)
      %dma_wait3A = arith.constant 0 : i32
      %dma_wait3A_17 = tpu.memref_slice %arg7[%mul3A_4, %dma_wait3A] : memref<10240x64xf32, #tpu.memory_space<vmem_shared>> -> memref<640x64xf32, #tpu.memory_space<vmem_shared>>
      %dma_wait3A_18 = arith.constant 0 : i32
      %dma_wait3A_19 = tpu.memref_slice %arg5[%mul3A_2, %dma_wait3A_18] : memref<10240x64xf32, #tpu.memory_space<hbm>> -> memref<640x64xf32, #tpu.memory_space<hbm>>
      tpu.wait_dma2 semaphore(%run_scoped3A : memref<!tpu.dma_semaphore, #tpu.memory_space<semaphore_mem>>) src(%dma_wait3A_19 : memref<640x64xf32, #tpu.memory_space<hbm>>) dst(%dma_wait3A_17 : memref<640x64xf32, #tpu.memory_space<vmem_shared>>)
      tpu.yield
    }) : () -> ()
    "tpu.region"() ({
      %run_scoped3A = tpu.sem_alloc : memref<!tpu.dma_semaphore, #tpu.memory_space<semaphore_mem>>
      %dma_start3A = arith.constant 0 : i32
      %dma_start3A_14 = arith.constant 0 : i32
      %dma_start3A_15 = tpu.memref_slice %arg3[%add3A, %dma_start3A, %dma_start3A_14] : memref<32x79x128xi32, #tpu.memory_space<hbm>> -> memref<1x79x128xi32, #tpu.memory_space<hbm>>
      %dma_start3A_16 = tpu.memref_squeeze %dma_start3A_15 : memref<1x79x128xi32, #tpu.memory_space<hbm>> -> memref<79x128xi32, #tpu.memory_space<hbm>>
      %dma_start3A_17 = arith.constant 0 : i32
      %dma_start3A_18 = arith.constant 0 : i32
      %dma_start3A_19 = tpu.memref_slice %arg3[%add3A, %dma_start3A_17, %dma_start3A_18] : memref<32x79x128xi32, #tpu.memory_space<hbm>> -> memref<1x79x128xi32, #tpu.memory_space<hbm>>
      %dma_start3A_20 = tpu.memref_squeeze %dma_start3A_19 : memref<1x79x128xi32, #tpu.memory_space<hbm>> -> memref<79x128xi32, #tpu.memory_space<hbm>>
      tpu.enqueue_dma source(%dma_start3A_20 : memref<79x128xi32, #tpu.memory_space<hbm>>) target(%arg8 : memref<79x128xi32, #tpu.memory_space<vmem>>) target_semaphore(%run_scoped3A : memref<!tpu.dma_semaphore, #tpu.memory_space<semaphore_mem>>)
      %dma_wait3A = arith.constant 0 : i32
      %dma_wait3A_21 = arith.constant 0 : i32
      %dma_wait3A_22 = tpu.memref_slice %arg3[%add3A, %dma_wait3A, %dma_wait3A_21] : memref<32x79x128xi32, #tpu.memory_space<hbm>> -> memref<1x79x128xi32, #tpu.memory_space<hbm>>
      %dma_wait3A_23 = tpu.memref_squeeze %dma_wait3A_22 : memref<1x79x128xi32, #tpu.memory_space<hbm>> -> memref<79x128xi32, #tpu.memory_space<hbm>>
      %dma_wait3A_24 = arith.constant 0 : i32
      %dma_wait3A_25 = arith.constant 0 : i32
      %dma_wait3A_26 = tpu.memref_slice %arg3[%add3A, %dma_wait3A_24, %dma_wait3A_25] : memref<32x79x128xi32, #tpu.memory_space<hbm>> -> memref<1x79x128xi32, #tpu.memory_space<hbm>>
      %dma_wait3A_27 = tpu.memref_squeeze %dma_wait3A_26 : memref<1x79x128xi32, #tpu.memory_space<hbm>> -> memref<79x128xi32, #tpu.memory_space<hbm>>
      tpu.wait_dma2 semaphore(%run_scoped3A : memref<!tpu.dma_semaphore, #tpu.memory_space<semaphore_mem>>) src(%dma_wait3A_27 : memref<79x128xi32, #tpu.memory_space<hbm>>) dst(%arg8 : memref<79x128xi32, #tpu.memory_space<vmem>>)
      tpu.yield
    }) : () -> ()
    "tpu.region"() ({
      %run_scoped3A = tpu.sem_alloc : memref<!tpu.dma_semaphore, #tpu.memory_space<semaphore_mem>>
      %dma_start3A = arith.constant 0 : i32
      %dma_start3A_14 = arith.constant 0 : i32
      %dma_start3A_15 = tpu.memref_slice %arg4[%add3A, %dma_start3A, %dma_start3A_14] : memref<32x79x128xi32, #tpu.memory_space<hbm>> -> memref<1x79x128xi32, #tpu.memory_space<hbm>>
      %dma_start3A_16 = tpu.memref_squeeze %dma_start3A_15 : memref<1x79x128xi32, #tpu.memory_space<hbm>> -> memref<79x128xi32, #tpu.memory_space<hbm>>
      %dma_start3A_17 = arith.constant 0 : i32
      %dma_start3A_18 = arith.constant 0 : i32
      %dma_start3A_19 = tpu.memref_slice %arg4[%add3A, %dma_start3A_17, %dma_start3A_18] : memref<32x79x128xi32, #tpu.memory_space<hbm>> -> memref<1x79x128xi32, #tpu.memory_space<hbm>>
      %dma_start3A_20 = tpu.memref_squeeze %dma_start3A_19 : memref<1x79x128xi32, #tpu.memory_space<hbm>> -> memref<79x128xi32, #tpu.memory_space<hbm>>
      tpu.enqueue_dma source(%dma_start3A_20 : memref<79x128xi32, #tpu.memory_space<hbm>>) target(%arg9 : memref<79x128xi32, #tpu.memory_space<vmem>>) target_semaphore(%run_scoped3A : memref<!tpu.dma_semaphore, #tpu.memory_space<semaphore_mem>>)
      %dma_wait3A = arith.constant 0 : i32
      %dma_wait3A_21 = arith.constant 0 : i32
      %dma_wait3A_22 = tpu.memref_slice %arg4[%add3A, %dma_wait3A, %dma_wait3A_21] : memref<32x79x128xi32, #tpu.memory_space<hbm>> -> memref<1x79x128xi32, #tpu.memory_space<hbm>>
      %dma_wait3A_23 = tpu.memref_squeeze %dma_wait3A_22 : memref<1x79x128xi32, #tpu.memory_space<hbm>> -> memref<79x128xi32, #tpu.memory_space<hbm>>
      %dma_wait3A_24 = arith.constant 0 : i32
      %dma_wait3A_25 = arith.constant 0 : i32
      %dma_wait3A_26 = tpu.memref_slice %arg4[%add3A, %dma_wait3A_24, %dma_wait3A_25] : memref<32x79x128xi32, #tpu.memory_space<hbm>> -> memref<1x79x128xi32, #tpu.memory_space<hbm>>
      %dma_wait3A_27 = tpu.memref_squeeze %dma_wait3A_26 : memref<1x79x128xi32, #tpu.memory_space<hbm>> -> memref<79x128xi32, #tpu.memory_space<hbm>>
      tpu.wait_dma2 semaphore(%run_scoped3A : memref<!tpu.dma_semaphore, #tpu.memory_space<semaphore_mem>>) src(%dma_wait3A_27 : memref<79x128xi32, #tpu.memory_space<hbm>>) dst(%arg9 : memref<79x128xi32, #tpu.memory_space<vmem>>)
      tpu.yield
    }) : () -> ()
    %barrier3A = arith.constant 0 : index
    tpu.barrier barrier_id(%barrier3A)
    %scan3A = arith.constant 0 : i32
    %scan3A_5 = arith.constant 79 : i32
    %scan3A_6 = arith.addi %scan3A, %scan3A_5 : i32
    %scan3A_7 = arith.constant 1 : i32
    scf.for %scan3A_14 = %scan3A to %scan3A_6 step %scan3A_7  : i32 {
      %mul3A_15 = arith.constant 1 : i32
      %mul3A_16 = arith.muli %scan3A_14, %mul3A_15 : i32
      %add3A_17 = arith.constant 0 : i32
      %add3A_18 = arith.addi %add3A_17, %mul3A_16 : i32
      %dma_start3A = arith.constant 0 : i32
      %dma_start3A_19 = tpu.memref_slice %arg8[%add3A_18, %dma_start3A] : memref<79x128xi32, #tpu.memory_space<vmem>> -> memref<1x128xi32, #tpu.memory_space<vmem>>
      %dma_start3A_20 = tpu.memref_squeeze %dma_start3A_19 : memref<1x128xi32, #tpu.memory_space<vmem>> -> memref<128xi32, #tpu.memory_space<vmem>>
      %dma_start3A_21 = arith.constant 0 : i32
      %dma_start3A_22 = arith.constant 0 : i32
      %dma_start3A_23 = tpu.memref_slice %arg2[%dma_start3A_21, %dma_start3A_22] : memref<10000x64xf32, #tpu.memory_space<hbm>> -> memref<10000x64xf32, #tpu.memory_space<hbm>>
      tpu.enqueue_indirect_dma source(%dma_start3A_23 : memref<10000x64xf32, #tpu.memory_space<hbm>>) target(%arg10 : memref<128x64xf32, #tpu.memory_space<vmem>>) offsets(%dma_start3A_20 : memref<128xi32, #tpu.memory_space<vmem>>) semaphore(%arg11 : memref<!tpu.dma_semaphore, #tpu.memory_space<semaphore_mem>>)
      %dma_wait3A = arith.constant 0 : i32
      %dma_wait3A_24 = tpu.memref_slice %arg8[%add3A_18, %dma_wait3A] : memref<79x128xi32, #tpu.memory_space<vmem>> -> memref<1x128xi32, #tpu.memory_space<vmem>>
      %dma_wait3A_25 = tpu.memref_squeeze %dma_wait3A_24 : memref<1x128xi32, #tpu.memory_space<vmem>> -> memref<128xi32, #tpu.memory_space<vmem>>
      %dma_wait3A_26 = arith.constant 0 : i32
      %dma_wait3A_27 = arith.constant 0 : i32
      %dma_wait3A_28 = tpu.memref_slice %arg2[%dma_wait3A_26, %dma_wait3A_27] : memref<10000x64xf32, #tpu.memory_space<hbm>> -> memref<10000x64xf32, #tpu.memory_space<hbm>>
      tpu.wait_indirect_dma semaphore(%arg11 : memref<!tpu.dma_semaphore, #tpu.memory_space<semaphore_mem>>) src(%dma_wait3A_28 : memref<10000x64xf32, #tpu.memory_space<hbm>>) dst(%arg10 : memref<128x64xf32, #tpu.memory_space<vmem>>)
      "tpu.region"() ({
        %run_scoped3A = tpu.sem_alloc : memref<!tpu.dma_semaphore, #tpu.memory_space<semaphore_mem>>
        %dma_start3A_29 = arith.constant 0 : i32
        %dma_start3A_30 = tpu.memref_slice %arg9[%add3A_18, %dma_start3A_29] : memref<79x128xi32, #tpu.memory_space<vmem>> -> memref<1x128xi32, #tpu.memory_space<vmem>>
        %dma_start3A_31 = tpu.memref_squeeze %dma_start3A_30 : memref<1x128xi32, #tpu.memory_space<vmem>> -> memref<128xi32, #tpu.memory_space<vmem>>
        %dma_start3A_32 = arith.constant 0 : i32
        %dma_start3A_33 = arith.constant 0 : i32
        %dma_start3A_34 = tpu.memref_slice %arg7[%dma_start3A_32, %dma_start3A_33] : memref<10240x64xf32, #tpu.memory_space<vmem_shared>> -> memref<10240x64xf32, #tpu.memory_space<vmem_shared>>
        tpu.enqueue_indirect_dma source(%arg10 : memref<128x64xf32, #tpu.memory_space<vmem>>) target(%dma_start3A_34 : memref<10240x64xf32, #tpu.memory_space<vmem_shared>>) offsets(%dma_start3A_31 : memref<128xi32, #tpu.memory_space<vmem>>) semaphore(%run_scoped3A : memref<!tpu.dma_semaphore, #tpu.memory_space<semaphore_mem>>) {add = true}
        %dma_wait3A_35 = arith.constant 0 : i32
        %dma_wait3A_36 = tpu.memref_slice %arg9[%add3A_18, %dma_wait3A_35] : memref<79x128xi32, #tpu.memory_space<vmem>> -> memref<1x128xi32, #tpu.memory_space<vmem>>
        %dma_wait3A_37 = tpu.memref_squeeze %dma_wait3A_36 : memref<1x128xi32, #tpu.memory_space<vmem>> -> memref<128xi32, #tpu.memory_space<vmem>>
        %dma_wait3A_38 = arith.constant 0 : i32
        %dma_wait3A_39 = arith.constant 0 : i32
        %dma_wait3A_40 = tpu.memref_slice %arg7[%dma_wait3A_38, %dma_wait3A_39] : memref<10240x64xf32, #tpu.memory_space<vmem_shared>> -> memref<10240x64xf32, #tpu.memory_space<vmem_shared>>
        tpu.wait_indirect_dma semaphore(%run_scoped3A : memref<!tpu.dma_semaphore, #tpu.memory_space<semaphore_mem>>) src(%arg10 : memref<128x64xf32, #tpu.memory_space<vmem>>) dst(%dma_wait3A_40 : memref<10240x64xf32, #tpu.memory_space<vmem_shared>>)
        tpu.yield
      }) : () -> ()
    }
    %scan3A_8 = arith.constant 79 : i32
    %barrier3A_9 = arith.constant 0 : index
    tpu.barrier barrier_id(%barrier3A_9)
    %mul3A_10 = arith.constant 640 : i32
    %mul3A_11 = arith.muli %arg1, %mul3A_10 : i32
    %mul3A_12 = arith.constant 640 : i32
    %mul3A_13 = arith.muli %arg1, %mul3A_12 : i32
    "tpu.region"() ({
      %run_scoped3A = tpu.sem_alloc : memref<!tpu.dma_semaphore, #tpu.memory_space<semaphore_mem>>
      %dma_start3A = arith.constant 0 : i32
      %dma_start3A_14 = tpu.memref_slice %arg6[%arg0, %mul3A_13, %dma_start3A] : memref<2x10240x64xf32, #tpu.memory_space<hbm>> -> memref<1x640x64xf32, #tpu.memory_space<hbm>>
      %dma_start3A_15 = tpu.memref_squeeze %dma_start3A_14 : memref<1x640x64xf32, #tpu.memory_space<hbm>> -> memref<640x64xf32, #tpu.memory_space<hbm>>
      %dma_start3A_16 = arith.constant 0 : i32
      %dma_start3A_17 = tpu.memref_slice %arg7[%mul3A_11, %dma_start3A_16] : memref<10240x64xf32, #tpu.memory_space<vmem_shared>> -> memref<640x64xf32, #tpu.memory_space<vmem_shared>>
      tpu.enqueue_dma source(%dma_start3A_17 : memref<640x64xf32, #tpu.memory_space<vmem_shared>>) target(%dma_start3A_15 : memref<640x64xf32, #tpu.memory_space<hbm>>) target_semaphore(%run_scoped3A : memref<!tpu.dma_semaphore, #tpu.memory_space<semaphore_mem>>)
      %dma_wait3A = arith.constant 0 : i32
      %dma_wait3A_18 = tpu.memref_slice %arg6[%arg0, %mul3A_13, %dma_wait3A] : memref<2x10240x64xf32, #tpu.memory_space<hbm>> -> memref<1x640x64xf32, #tpu.memory_space<hbm>>
      %dma_wait3A_19 = tpu.memref_squeeze %dma_wait3A_18 : memref<1x640x64xf32, #tpu.memory_space<hbm>> -> memref<640x64xf32, #tpu.memory_space<hbm>>
      %dma_wait3A_20 = arith.constant 0 : i32
      %dma_wait3A_21 = tpu.memref_slice %arg7[%mul3A_11, %dma_wait3A_20] : memref<10240x64xf32, #tpu.memory_space<vmem_shared>> -> memref<640x64xf32, #tpu.memory_space<vmem_shared>>
      tpu.wait_dma2 semaphore(%run_scoped3A : memref<!tpu.dma_semaphore, #tpu.memory_space<semaphore_mem>>) src(%dma_wait3A_21 : memref<640x64xf32, #tpu.memory_space<vmem_shared>>) dst(%dma_wait3A_19 : memref<640x64xf32, #tpu.memory_space<hbm>>)
      tpu.yield
    }) : () -> ()
    return
  }
}

module attributes {stable_mosaic.version = 14 : i64} {
  func.func @_tc_head_body(%arg0: memref<10000x128xf32, #tpu.memory_space<vmem>>, %arg1: memref<128x64xf32, #tpu.memory_space<vmem>>, %arg2: memref<1x64xf32, #tpu.memory_space<vmem>>, %arg3: memref<10000x64xf32, #tpu.memory_space<vmem>>) attributes {dimension_semantics = [], scalar_prefetch = 0 : i64, scratch_operands = 0 : i64, tpu.core_type = #tpu.core_type<tc>} {
    %get3A = arith.constant 0 : index
    %get3A_0 = arith.constant 0 : index
    %get3A_1 = vector.load %arg0[%get3A, %get3A_0] : memref<10000x128xf32, #tpu.memory_space<vmem>>, vector<10000x128xf32>
    %get3A_2 = arith.constant 0 : index
    %get3A_3 = arith.constant 0 : index
    %get3A_4 = vector.load %arg1[%get3A_2, %get3A_3] : memref<128x64xf32, #tpu.memory_space<vmem>>, vector<128x64xf32>
    %dot_general3A = arith.constant dense<0.000000e+00> : vector<10000x64xf32>
    %dot_general3A_5 = tpu.matmul %get3A_1, %get3A_4, %dot_general3A {dimension_numbers = #tpu.dot_dimension_numbers<[1], [0], [0], [1], [0, 0, 1, 1], [], []>, precision = #tpu.contract_precision<fp32>, transpose_lhs_hint = false} : vector<10000x128xf32>, vector<128x64xf32>, vector<10000x64xf32> -> vector<10000x64xf32>
    %get3A_6 = arith.constant 0 : index
    %get3A_7 = arith.constant 0 : index
    %get3A_8 = vector.load %arg2[%get3A_6, %get3A_7] : memref<1x64xf32, #tpu.memory_space<vmem>>, vector<1x64xf32>
    %add3A = vector.broadcast %get3A_8 : vector<1x64xf32> to vector<10000x64xf32>
    %add3A_9 = arith.addf %dot_general3A_5, %add3A : vector<10000x64xf32>
    %swap3A = arith.constant 0 : index
    %swap3A_10 = arith.constant 0 : index
    %swap3A_11 = vector.load %arg3[%swap3A, %swap3A_10] : memref<10000x64xf32, #tpu.memory_space<vmem>>, vector<10000x64xf32>
    tpu.vector_store %arg3[%swap3A, %swap3A_10], %add3A_9 {strides = array<i32>} : memref<10000x64xf32, #tpu.memory_space<vmem>>, vector<10000x64xf32>,
    return
  }
}

module attributes {stable_mosaic.version = 14 : i64} {
  func.func @_tc_mid_body(%arg0: memref<10000x64xf32, #tpu.memory_space<vmem>>, %arg1: memref<2x10240x64xf32, #tpu.memory_space<vmem>>, %arg2: memref<64x64xf32, #tpu.memory_space<vmem>>, %arg3: memref<1x64xf32, #tpu.memory_space<vmem>>, %arg4: memref<1x64xf32, #tpu.memory_space<vmem>>, %arg5: memref<1x64xf32, #tpu.memory_space<vmem>>, %arg6: memref<64x64xf32, #tpu.memory_space<vmem>>, %arg7: memref<1x64xf32, #tpu.memory_space<vmem>>, %arg8: memref<10000x64xf32, #tpu.memory_space<vmem>>) attributes {dimension_semantics = [], scalar_prefetch = 0 : i64, scratch_operands = 0 : i64, tpu.core_type = #tpu.core_type<tc>} {
    %get3A = arith.constant 0 : index
    %get3A_0 = arith.constant 0 : index
    %get3A_1 = vector.load %arg0[%get3A, %get3A_0] : memref<10000x64xf32, #tpu.memory_space<vmem>>, vector<10000x64xf32>
    %get3A_2 = arith.constant 0 : index
    %get3A_3 = arith.constant 0 : index
    %get3A_4 = arith.constant 0 : index
    %get3A_5 = vector.load %arg1[%get3A_2, %get3A_3, %get3A_4] : memref<2x10240x64xf32, #tpu.memory_space<vmem>>, vector<1x10000x64xf32>
    %get3A_6 = vector.shape_cast %get3A_5 : vector<1x10000x64xf32> to vector<10000x64xf32>
    %get3A_7 = arith.constant 1 : index
    %get3A_8 = arith.constant 0 : index
    %get3A_9 = arith.constant 0 : index
    %get3A_10 = vector.load %arg1[%get3A_7, %get3A_8, %get3A_9] : memref<2x10240x64xf32, #tpu.memory_space<vmem>>, vector<1x10000x64xf32>
    %get3A_11 = vector.shape_cast %get3A_10 : vector<1x10000x64xf32> to vector<10000x64xf32>
    %get3A_12 = arith.constant 0 : index
    %get3A_13 = arith.constant 0 : index
    %get3A_14 = vector.load %arg2[%get3A_12, %get3A_13] : memref<64x64xf32, #tpu.memory_space<vmem>>, vector<64x64xf32>
    %get3A_15 = arith.constant 0 : index
    %get3A_16 = arith.constant 0 : index
    %get3A_17 = vector.load %arg3[%get3A_15, %get3A_16] : memref<1x64xf32, #tpu.memory_space<vmem>>, vector<1x64xf32>
    %get3A_18 = arith.constant 0 : index
    %get3A_19 = arith.constant 0 : index
    %get3A_20 = vector.load %arg4[%get3A_18, %get3A_19] : memref<1x64xf32, #tpu.memory_space<vmem>>, vector<1x64xf32>
    %get3A_21 = arith.constant 0 : index
    %get3A_22 = arith.constant 0 : index
    %get3A_23 = vector.load %arg5[%get3A_21, %get3A_22] : memref<1x64xf32, #tpu.memory_space<vmem>>, vector<1x64xf32>
    %add3A = arith.addf %get3A_1, %get3A_6 : vector<10000x64xf32>
    %add3A_24 = arith.addf %add3A, %get3A_11 : vector<10000x64xf32>
    %max3A = arith.constant 0.000000e+00 : f32
    %max3A_25 = vector.broadcast %max3A : f32 to vector<10000x64xf32>
    %max3A_26 = arith.maximumf %add3A_24, %max3A_25 : vector<10000x64xf32>
    %dot_general3A = arith.constant dense<0.000000e+00> : vector<10000x64xf32>
    %dot_general3A_27 = tpu.matmul %max3A_26, %get3A_14, %dot_general3A {dimension_numbers = #tpu.dot_dimension_numbers<[1], [0], [0], [1], [0, 0, 1, 1], [], []>, precision = #tpu.contract_precision<fp32>, transpose_lhs_hint = false} : vector<10000x64xf32>, vector<64x64xf32>, vector<10000x64xf32> -> vector<10000x64xf32>
    %add3A_28 = vector.broadcast %get3A_17 : vector<1x64xf32> to vector<10000x64xf32>
    %add3A_29 = arith.addf %dot_general3A_27, %add3A_28 : vector<10000x64xf32>
    %max3A_30 = arith.constant 0.000000e+00 : f32
    %max3A_31 = vector.broadcast %max3A_30 : f32 to vector<10000x64xf32>
    %max3A_32 = arith.maximumf %add3A_29, %max3A_31 : vector<10000x64xf32>
    %reduce_sum3A = arith.constant dense<0.000000e+00> : vector<64xf32>
    %reduce_sum3A_33 = vector.multi_reduction <add>, %max3A_32, %reduce_sum3A [0] : vector<10000x64xf32> to vector<64xf32>
    %broadcast_in_dim3A = vector.shape_cast %reduce_sum3A_33 : vector<64xf32> to vector<1x64xf32>
    %mul3A = arith.constant 9.99999974E-5 : f32
    %mul3A_34 = vector.broadcast %mul3A : f32 to vector<1x64xf32>
    %mul3A_35 = arith.mulf %broadcast_in_dim3A, %mul3A_34 : vector<1x64xf32>
    %sub3A = vector.broadcast %mul3A_35 : vector<1x64xf32> to vector<10000x64xf32>
    %sub3A_36 = arith.subf %max3A_32, %sub3A : vector<10000x64xf32>
    %mul3A_37 = arith.mulf %sub3A_36, %sub3A_36 : vector<10000x64xf32>
    %reduce_sum3A_38 = arith.constant dense<0.000000e+00> : vector<64xf32>
    %reduce_sum3A_39 = vector.multi_reduction <add>, %mul3A_37, %reduce_sum3A_38 [0] : vector<10000x64xf32> to vector<64xf32>
    %broadcast_in_dim3A_40 = vector.shape_cast %reduce_sum3A_39 : vector<64xf32> to vector<1x64xf32>
    %mul3A_41 = arith.constant 9.99999974E-5 : f32
    %mul3A_42 = vector.broadcast %mul3A_41 : f32 to vector<1x64xf32>
    %mul3A_43 = arith.mulf %broadcast_in_dim3A_40, %mul3A_42 : vector<1x64xf32>
    %add3A_44 = arith.constant 9.99999974E-6 : f32
    %add3A_45 = vector.broadcast %add3A_44 : f32 to vector<1x64xf32>
    %add3A_46 = arith.addf %mul3A_43, %add3A_45 : vector<1x64xf32>
    %rsqrt3A = math.rsqrt %add3A_46 : vector<1x64xf32>
    %mul3A_47 = vector.broadcast %rsqrt3A : vector<1x64xf32> to vector<10000x64xf32>
    %mul3A_48 = arith.mulf %sub3A_36, %mul3A_47 : vector<10000x64xf32>
    %mul3A_49 = vector.broadcast %get3A_20 : vector<1x64xf32> to vector<10000x64xf32>
    %mul3A_50 = arith.mulf %mul3A_48, %mul3A_49 : vector<10000x64xf32>
    %add3A_51 = vector.broadcast %get3A_23 : vector<1x64xf32> to vector<10000x64xf32>
    %add3A_52 = arith.addf %mul3A_50, %add3A_51 : vector<10000x64xf32>
    %max3A_53 = arith.constant 0.000000e+00 : f32
    %max3A_54 = vector.broadcast %max3A_53 : f32 to vector<10000x64xf32>
    %max3A_55 = arith.maximumf %add3A_52, %max3A_54 : vector<10000x64xf32>
    %get3A_56 = arith.constant 0 : index
    %get3A_57 = arith.constant 0 : index
    %get3A_58 = vector.load %arg6[%get3A_56, %get3A_57] : memref<64x64xf32, #tpu.memory_space<vmem>>, vector<64x64xf32>
    %dot_general3A_59 = arith.constant dense<0.000000e+00> : vector<10000x64xf32>
    %dot_general3A_60 = tpu.matmul %max3A_55, %get3A_58, %dot_general3A_59 {dimension_numbers = #tpu.dot_dimension_numbers<[1], [0], [0], [1], [0, 0, 1, 1], [], []>, precision = #tpu.contract_precision<fp32>, transpose_lhs_hint = false} : vector<10000x64xf32>, vector<64x64xf32>, vector<10000x64xf32> -> vector<10000x64xf32>
    %get3A_61 = arith.constant 0 : index
    %get3A_62 = arith.constant 0 : index
    %get3A_63 = vector.load %arg7[%get3A_61, %get3A_62] : memref<1x64xf32, #tpu.memory_space<vmem>>, vector<1x64xf32>
    %add3A_64 = vector.broadcast %get3A_63 : vector<1x64xf32> to vector<10000x64xf32>
    %add3A_65 = arith.addf %dot_general3A_60, %add3A_64 : vector<10000x64xf32>
    %swap3A = arith.constant 0 : index
    %swap3A_66 = arith.constant 0 : index
    %swap3A_67 = vector.load %arg8[%swap3A, %swap3A_66] : memref<10000x64xf32, #tpu.memory_space<vmem>>, vector<10000x64xf32>
    tpu.vector_store %arg8[%swap3A, %swap3A_66], %add3A_65 {strides = array<i32>} : memref<10000x64xf32, #tpu.memory_space<vmem>>, vector<10000x64xf32>,
    return
  }
}

module attributes {stable_mosaic.version = 14 : i64} {
  func.func @_tc_fin_body(%arg0: memref<10000x64xf32, #tpu.memory_space<vmem>>, %arg1: memref<2x10240x64xf32, #tpu.memory_space<vmem>>, %arg2: memref<64x64xf32, #tpu.memory_space<vmem>>, %arg3: memref<1x64xf32, #tpu.memory_space<vmem>>, %arg4: memref<1x64xf32, #tpu.memory_space<vmem>>, %arg5: memref<1x64xf32, #tpu.memory_space<vmem>>, %arg6: memref<10000x1xi32, #tpu.memory_space<vmem>>, %arg7: memref<64x1xf32, #tpu.memory_space<vmem>>, %arg8: memref<1x1xf32, #tpu.memory_space<vmem>>, %arg9: memref<64x1xf32, #tpu.memory_space<vmem>>) attributes {dimension_semantics = [], scalar_prefetch = 0 : i64, scratch_operands = 0 : i64, tpu.core_type = #tpu.core_type<tc>} {
    %get3A = arith.constant 0 : index
    %get3A_0 = arith.constant 0 : index
    %get3A_1 = vector.load %arg0[%get3A, %get3A_0] : memref<10000x64xf32, #tpu.memory_space<vmem>>, vector<10000x64xf32>
    %get3A_2 = arith.constant 0 : index
    %get3A_3 = arith.constant 0 : index
    %get3A_4 = arith.constant 0 : index
    %get3A_5 = vector.load %arg1[%get3A_2, %get3A_3, %get3A_4] : memref<2x10240x64xf32, #tpu.memory_space<vmem>>, vector<1x10000x64xf32>
    %get3A_6 = vector.shape_cast %get3A_5 : vector<1x10000x64xf32> to vector<10000x64xf32>
    %get3A_7 = arith.constant 1 : index
    %get3A_8 = arith.constant 0 : index
    %get3A_9 = arith.constant 0 : index
    %get3A_10 = vector.load %arg1[%get3A_7, %get3A_8, %get3A_9] : memref<2x10240x64xf32, #tpu.memory_space<vmem>>, vector<1x10000x64xf32>
    %get3A_11 = vector.shape_cast %get3A_10 : vector<1x10000x64xf32> to vector<10000x64xf32>
    %get3A_12 = arith.constant 0 : index
    %get3A_13 = arith.constant 0 : index
    %get3A_14 = vector.load %arg2[%get3A_12, %get3A_13] : memref<64x64xf32, #tpu.memory_space<vmem>>, vector<64x64xf32>
    %get3A_15 = arith.constant 0 : index
    %get3A_16 = arith.constant 0 : index
    %get3A_17 = vector.load %arg3[%get3A_15, %get3A_16] : memref<1x64xf32, #tpu.memory_space<vmem>>, vector<1x64xf32>
    %get3A_18 = arith.constant 0 : index
    %get3A_19 = arith.constant 0 : index
    %get3A_20 = vector.load %arg4[%get3A_18, %get3A_19] : memref<1x64xf32, #tpu.memory_space<vmem>>, vector<1x64xf32>
    %get3A_21 = arith.constant 0 : index
    %get3A_22 = arith.constant 0 : index
    %get3A_23 = vector.load %arg5[%get3A_21, %get3A_22] : memref<1x64xf32, #tpu.memory_space<vmem>>, vector<1x64xf32>
    %add3A = arith.addf %get3A_1, %get3A_6 : vector<10000x64xf32>
    %add3A_24 = arith.addf %add3A, %get3A_11 : vector<10000x64xf32>
    %max3A = arith.constant 0.000000e+00 : f32
    %max3A_25 = vector.broadcast %max3A : f32 to vector<10000x64xf32>
    %max3A_26 = arith.maximumf %add3A_24, %max3A_25 : vector<10000x64xf32>
    %dot_general3A = arith.constant dense<0.000000e+00> : vector<10000x64xf32>
    %dot_general3A_27 = tpu.matmul %max3A_26, %get3A_14, %dot_general3A {dimension_numbers = #tpu.dot_dimension_numbers<[1], [0], [0], [1], [0, 0, 1, 1], [], []>, precision = #tpu.contract_precision<fp32>, transpose_lhs_hint = false} : vector<10000x64xf32>, vector<64x64xf32>, vector<10000x64xf32> -> vector<10000x64xf32>
    %add3A_28 = vector.broadcast %get3A_17 : vector<1x64xf32> to vector<10000x64xf32>
    %add3A_29 = arith.addf %dot_general3A_27, %add3A_28 : vector<10000x64xf32>
    %max3A_30 = arith.constant 0.000000e+00 : f32
    %max3A_31 = vector.broadcast %max3A_30 : f32 to vector<10000x64xf32>
    %max3A_32 = arith.maximumf %add3A_29, %max3A_31 : vector<10000x64xf32>
    %reduce_sum3A = arith.constant dense<0.000000e+00> : vector<64xf32>
    %reduce_sum3A_33 = vector.multi_reduction <add>, %max3A_32, %reduce_sum3A [0] : vector<10000x64xf32> to vector<64xf32>
    %broadcast_in_dim3A = vector.shape_cast %reduce_sum3A_33 : vector<64xf32> to vector<1x64xf32>
    %mul3A = arith.constant 9.99999974E-5 : f32
    %mul3A_34 = vector.broadcast %mul3A : f32 to vector<1x64xf32>
    %mul3A_35 = arith.mulf %broadcast_in_dim3A, %mul3A_34 : vector<1x64xf32>
    %sub3A = vector.broadcast %mul3A_35 : vector<1x64xf32> to vector<10000x64xf32>
    %sub3A_36 = arith.subf %max3A_32, %sub3A : vector<10000x64xf32>
    %mul3A_37 = arith.mulf %sub3A_36, %sub3A_36 : vector<10000x64xf32>
    %reduce_sum3A_38 = arith.constant dense<0.000000e+00> : vector<64xf32>
    %reduce_sum3A_39 = vector.multi_reduction <add>, %mul3A_37, %reduce_sum3A_38 [0] : vector<10000x64xf32> to vector<64xf32>
    %broadcast_in_dim3A_40 = vector.shape_cast %reduce_sum3A_39 : vector<64xf32> to vector<1x64xf32>
    %mul3A_41 = arith.constant 9.99999974E-5 : f32
    %mul3A_42 = vector.broadcast %mul3A_41 : f32 to vector<1x64xf32>
    %mul3A_43 = arith.mulf %broadcast_in_dim3A_40, %mul3A_42 : vector<1x64xf32>
    %add3A_44 = arith.constant 9.99999974E-6 : f32
    %add3A_45 = vector.broadcast %add3A_44 : f32 to vector<1x64xf32>
    %add3A_46 = arith.addf %mul3A_43, %add3A_45 : vector<1x64xf32>
    %rsqrt3A = math.rsqrt %add3A_46 : vector<1x64xf32>
    %mul3A_47 = vector.broadcast %rsqrt3A : vector<1x64xf32> to vector<10000x64xf32>
    %mul3A_48 = arith.mulf %sub3A_36, %mul3A_47 : vector<10000x64xf32>
    %mul3A_49 = vector.broadcast %get3A_20 : vector<1x64xf32> to vector<10000x64xf32>
    %mul3A_50 = arith.mulf %mul3A_48, %mul3A_49 : vector<10000x64xf32>
    %add3A_51 = vector.broadcast %get3A_23 : vector<1x64xf32> to vector<10000x64xf32>
    %add3A_52 = arith.addf %mul3A_50, %add3A_51 : vector<10000x64xf32>
    %max3A_53 = arith.constant 0.000000e+00 : f32
    %max3A_54 = vector.broadcast %max3A_53 : f32 to vector<10000x64xf32>
    %max3A_55 = arith.maximumf %add3A_52, %max3A_54 : vector<10000x64xf32>
    %iota3A = tpu.iota {dimensions = array<i32: 1>} : vector<10000x64xi32>
    %get3A_56 = arith.constant 0 : index
    %get3A_57 = arith.constant 0 : index
    %get3A_58 = vector.load %arg6[%get3A_56, %get3A_57] : memref<10000x1xi32, #tpu.memory_space<vmem>>, vector<10000x1xi32>
    %eq3A = vector.broadcast %get3A_58 : vector<10000x1xi32> to vector<10000x64xi32>
    %eq3A_59 = arith.cmpi eq, %iota3A, %eq3A : vector<10000x64xi32>
    %convert_element_type3A = arith.extui %eq3A_59 : vector<10000x64xi1> to vector<10000x64xi32>
    %convert_element_type3A_60 = arith.sitofp %convert_element_type3A : vector<10000x64xi32> to vector<10000x64xf32>
    %dot_general3A_61 = arith.constant dense<0.000000e+00> : vector<64x64xf32>
    %dot_general3A_62 = tpu.matmul %convert_element_type3A_60, %max3A_55, %dot_general3A_61 {dimension_numbers = #tpu.dot_dimension_numbers<[0], [0], [1], [1], [0, 1, 1, 1], [], []>, precision = #tpu.contract_precision<fp32>, transpose_lhs_hint = false} : vector<10000x64xf32>, vector<10000x64xf32>, vector<64x64xf32> -> vector<64x64xf32>
    %get3A_63 = arith.constant 0 : index
    %get3A_64 = arith.constant 0 : index
    %get3A_65 = vector.load %arg7[%get3A_63, %get3A_64] : memref<64x1xf32, #tpu.memory_space<vmem>>, vector<64x1xf32>
    %dot_general3A_66 = arith.constant dense<0.000000e+00> : vector<64x1xf32>
    %dot_general3A_67 = tpu.matmul %dot_general3A_62, %get3A_65, %dot_general3A_66 {dimension_numbers = #tpu.dot_dimension_numbers<[1], [0], [0], [1], [0, 0, 1, 1], [], []>, precision = #tpu.contract_precision<fp32>, transpose_lhs_hint = false} : vector<64x64xf32>, vector<64x1xf32>, vector<64x1xf32> -> vector<64x1xf32>
    %get3A_68 = arith.constant 0 : index
    %get3A_69 = arith.constant 0 : index
    %get3A_70 = vector.load %arg8[%get3A_68, %get3A_69] : memref<1x1xf32, #tpu.memory_space<vmem>>, vector<1x1xf32>
    %add3A_71 = vector.broadcast %get3A_70 : vector<1x1xf32> to vector<64x1xf32>
    %add3A_72 = arith.addf %dot_general3A_67, %add3A_71 : vector<64x1xf32>
    %swap3A = arith.constant 0 : index
    %swap3A_73 = arith.constant 0 : index
    %swap3A_74 = vector.load %arg9[%swap3A, %swap3A_73] : memref<64x1xf32, #tpu.memory_space<vmem>>, vector<64x1xf32>
    tpu.vector_store %arg9[%swap3A, %swap3A_73], %add3A_72 {strides = array<i32>} : memref<64x1xf32, #tpu.memory_space<vmem>>, vector<64x1xf32>,
    return
  }
}

</mosaic_0001>

<sc_bundles>
// kernel: kernel.12.cloned.1.call-start
scs
__scs_entry_jumppad:
0x0: {  	(pc) =	sbr.rel $0x88, $3  }
0x1: {  	(tag) =	ssettag $0x0;
	lr =	simm.s32 $0x1  }
0x2: {  	[smem:$0x3F8A] =	sst lr;
	_ =	strace $0xD0000000  }
0x3: {  	_ = 	snop  }
0x4: {  	_ = 	snop  }
0x5: {  	_ = 	snop  }
0x6: {  	_ = 	snop  }
0x7: {  	_ = 	snop  }
__scs_overlays_trampoline_lowered:
0x8: {  	[smem:$0x3F99] =	sst s0  }
0x9: {  	[smem:$0x3F9A] =	sst s1  }
0xa: {  	[smem:$0x3F9B] =	sst s2  }
0xb: {  	[smem:$0x3F9C] =	sst s3  }
0xc: {  	[smem:$0x3F9D] =	sst s4  }
0xd: {  	[smem:$0x3F9E] =	sst s5  }
0xe: {  	[smem:$0x3F9F] =	sst s6  }
0xf: {  	[smem:$0x3FA0] =	sst s7  }
0x10: {  	[smem:$0x3FA1] =	sst s8  }
0x11: {  	[smem:$0x3FA2] =	sst s9;
	s0 =	simm.s32 @!p0 $0x0  }
0x12: {  	s1 =	sld [smem:$0x3F88];
	s0 =	simm.s32 @p0 $0x1  }
0x13: {  	[smem:$0x3FA3] =	sst s0;
	s0 =	simm.s32 @!p1 $0x0  }
0x14: {  	s2 =	sld [smem:$0x3F87];
	s0 =	simm.s32 @p1 $0x1  }
0x15: {  	[smem:$0x3FA4] =	sst s0;
	s0 =	simm.s32 @!p2 $0x0  }
0x16: {  	s3 =	sld [smem:$0x3FDB];
	s0 =	simm.s32 @p2 $0x1  }
0x17: {  	s4 =	simm.s32 $0x1BF5;
	[smem:$0x3FA6] =	sst s0  }
0x18: {  	s0 =	sld [smem:$0x3F89];
	_ =	swait.ge [sflag:s4], $0x0  }
0x19: {  	s7 =	sld [smem:$0x3F8A]  }
0x1a: {  	s8 =	sadd.s32 $0xFFFFE003, lr  }
0x1b: {  	s9 =	sadd.s32 $0xFFFFFEF7, lr;
	s5 =	simm.s32 $0xFFFFFFFF;
	p2 =	slt.u32 s8, $0xFFFFF086  }
0x1c: {  	p1 =	slt.u32 s9, $0xF7A;
	s5 =	simm.s32 @!p2 $0x0  }
0x1d: {  	s5 =	simm.s32 @p1 $0x1;
	p0 =	seq.s32 s7, s2  }
0x1e: {  	s7 =	smul.u32 @!p0 $0xF7A, s2;
	p2 =	seq.s32 @!p0 s5, $0x0  }
0x1f: {  	s9 =	smul.u32 $0xF7A, s1;
	s8 =	simm.s32 @!p0 $0x1BF5;
	p2 =	por !p2, p0  }
0x20: {  	[sflag:s8] =	ssyncset.s32 @!p0 $0xFFFFF086;
	s6 =	sadd.s32 @!p0 s3, s7;
	s7 =	simm.s32 @!p0 $0x108  }
0x21: {  	s3 =	sadd.s32 s3, s9;
	s6 =	sadd.s32 @!p0 $0x88, s6;
	s7 =	simm.s32 @p2 $0x1082  }
0x22: {  	[simem:s7], [sflag:s8] =	dma.local @!p0 [hbm:s6], $0xF7A  }
0x23: {  	s9 =	sor.u32 $0xD0000000, s2;
	s6 =	simm.s32 $0x108;
	_ =	swait.ge @!p0 [sflag:s8], $0x0  }
0x24: {  	s3 =	sadd.s32 $0x88, s3;
	s6 =	simm.s32 @!p1 $0x1082;
	[sflag:s4] =	ssyncset.s32 $0xFFFFF086  }
0x25: {  	[simem:s6], [sflag:s4] =	dma.local [hbm:s3], $0xF7A  }
0x26: {  	[smem:$0x3F8A] =	sst s1;
	(tag) =	ssettag s2;
	_ =	strace s9  }
0x27: {  	s1 =	sld [smem:$0x3F9A]  }
0x28: {  	s2 =	sld [smem:$0x3F9B]  }
0x29: {  	s4 =	sld [smem:$0x3F9D]  }
0x2a: {  	p0 =	seq.s32 s5, $0x0;
	s5 =	sld [smem:$0x3F9E]  }
0x2b: {  	s6 =	sld [smem:$0x3F9F]  }
0x2c: {  	s7 =	sld [smem:$0x3FA0]  }
0x2d: {  	s3 =	simm.s32 $0x108;
	s8 =	sld [smem:$0x3FA1]  }
0x2e: {  	s3 =	simm.s32 @!p0 $0x1082;
	s9 =	sld [smem:$0x3FA2]  }
0x2f: {  	lr =	sadd.s32 s0, s3;
	s0 =	sld [smem:$0x3F99]  }
0x30: {  	s3 =	sld [smem:$0x3F9C]  }
0x31: {  	[smem:$0x3FA5] =	sst s10  }
0x32: {  	s10 =	sld [smem:$0x3FA3];
	_ =	sdelay $0x3  }
0x33: {  	p0 =	seq.s32 s10, $0x1;
	s10 =	sld [smem:$0x3FA5];
	_ =	sdelay $0x3  }
0x34: {  	[smem:$0x3FA5] =	sst s10  }
0x35: {  	s10 =	sld [smem:$0x3FA4];
	_ =	sdelay $0x3  }
0x36: {  	p1 =	seq.s32 s10, $0x1;
	s10 =	sld [smem:$0x3FA5];
	_ =	sdelay $0x3  }
0x37: {  	[smem:$0x3FA5] =	sst s10  }
0x38: {  	s10 =	sld [smem:$0x3FA6]  }
0x39: {  	_ = 	snop;
	(pc) =	sbr.ind lr, $3  }
0x3a: {  	_ = 	snop  }
0x3b: {  	_ = 	snop  }
0x3c: {  	p2 =	seq.s32 s10, $0x1;
	s10 =	sld [smem:$0x3FA5]  }
0x3d: {  	_ =	shalt  }
0x3e: {  	_ =	shalt  }
0x3f: {  	_ =	shalt  }
0x40: {  	_ =	shalt  }
0x41: {  	_ =	shalt  }
0x42: {  	_ =	shalt  }
0x43: {  	_ =	shalt  }
0x44: {  	_ =	shalt  }
0x45: {  	_ =	shalt  }
0x46: {  	_ =	shalt  }
0x47: {  	_ =	shalt  }
0x48: {  	_ =	shalt  }
0x49: {  	_ =	shalt  }
0x4a: {  	_ =	shalt  }
0x4b: {  	_ =	shalt  }
0x4c: {  	_ =	shalt  }
0x4d: {  	_ =	shalt  }
0x4e: {  	_ =	shalt  }
0x4f: {  	_ =	shalt  }
0x50: {  	_ =	shalt  }
0x51: {  	_ =	shalt  }
0x52: {  	_ =	shalt  }
0x53: {  	_ =	shalt  }
0x54: {  	_ =	shalt  }
0x55: {  	_ =	shalt  }
0x56: {  	_ =	shalt  }
0x57: {  	_ =	shalt  }
0x58: {  	_ =	shalt  }
0x59: {  	_ =	shalt  }
0x5a: {  	_ =	shalt  }
0x5b: {  	_ =	shalt  }
0x5c: {  	_ =	shalt  }
0x5d: {  	_ =	shalt  }
0x5e: {  	_ =	shalt  }
0x5f: {  	_ =	shalt  }
0x60: {  	_ =	shalt  }
0x61: {  	_ =	shalt  }
0x62: {  	_ =	shalt  }
0x63: {  	_ =	shalt  }
0x64: {  	_ =	shalt  }
0x65: {  	_ =	shalt  }
0x66: {  	_ =	shalt  }
0x67: {  	_ =	shalt  }
0x68: {  	_ =	shalt  }
0x69: {  	_ =	shalt  }
0x6a: {  	_ =	shalt  }
0x6b: {  	_ =	shalt  }
0x6c: {  	_ =	shalt  }
0x6d: {  	_ =	shalt  }
0x6e: {  	_ =	shalt  }
0x6f: {  	_ =	shalt  }
0x70: {  	_ =	shalt  }
0x71: {  	_ =	shalt  }
0x72: {  	_ =	shalt  }
0x73: {  	_ =	shalt  }
0x74: {  	_ =	shalt  }
0x75: {  	_ =	shalt  }
0x76: {  	_ =	shalt  }
0x77: {  	_ =	shalt  }
0x78: {  	_ =	shalt  }
0x79: {  	_ =	shalt  }
0x7a: {  	_ =	shalt  }
0x7b: {  	_ =	shalt  }
0x7c: {  	_ =	shalt  }
0x7d: {  	_ =	shalt  }
0x7e: {  	_ =	shalt  }
0x7f: {  	_ =	shalt  }
0x80: {  	_ =	shalt  }
0x81: {  	_ =	shalt  }
0x82: {  	_ =	shalt  }
0x83: {  	_ =	shalt  }
0x84: {  	_ =	shalt  }
0x85: {  	_ =	shalt  }
0x86: {  	_ =	shalt  }
0x87: {  	_ =	shalt  }
.Lfunc_end0:
.L_simem_size_0:
called_computation.1_lowered:
.L_overlay_start_0:
0x88: {  	s2 =	sld [smem:$0x3FD9]  }
0x89: {  	s3 =	sld [smem:$0x3FFE];
	_ =	sdelay $0x1  }
0x8a: {  	s1 =	srdreg.scid  }
0x8b: {  	s0 =	sand.u32 $0x1, s1  }
0x8c: {  	s16 =	sshll.u32 s0, $0xA;
	s2 =	sadd.s32 s3, s2  }
0x8d: {  	s2 =	sadd.s32 s2, s16  }
0x8e: {  	[smem:$0x3FB1] =	sst s2  }
0x8f: {  	_ = 	snop  }
0x90: {  	(tm) =	ssettm $0x1  }
0x91: {  	s17 =	sld [smem:$0x3FFB];
	_ =	sdelay $0x3  }
0x92: {  	_ =	strace s17  }
0x93: {  	s2 =	sld [smem:$0x3FFC];
	_ =	sdelay $0x3  }
0x94: {  	_ =	strace s2  }
0x95: {  	s2 =	sld [smem:$0x3FFD];
	_ =	sdelay $0x3  }
0x96: {  	_ =	strace s2  }
0x97: {  	_ =	strace $0x8FFFFFFF  }
0x98: {  	s18 =	sld [smem:$0x3FDB];
	_ =	sdelay $0x1  }
0x99: {  	s19 =	simm.s32 $_scs_section_size  }
0x9a: {  	s4 =	simm.s32 $_size__tile_overlayer_lowered;
	s5 =	simm.s32 $_tile_overlayer_lowered  }
0x9b: {  	s22 =	simm.s32 $0x1BFF;
	s21 =	sshll.u32 s5, $0x1;
	s2 =	sadd.s32 s19, s18  }
0x9c: {  	s6 =	simm.s32 $0x0;
	s20 =	sshll.u32 s4, $0x1;
	s4 =	sadd.s32 s21, s2  }
0x9d: {  	[timem:s6], [sflag:s22] =	dma.local [hbm:s4], s20  }
0x9e: {  	_ =	swait.ge [sflag:s22], s20  }
0x9f: {  	s3 =	ssub.s32 $0x0, s20;
	[sflag:s22] =	ssyncset.done $0x0  }
0xa0: {  	[sflag:s22] =	ssyncadd.s32 s3;
	_ =	sdelay $0x1  }
0xa1: {  	s23 =	simm.s32 $0x1B8B  }
0xa2: {  	_ =	swait.ge [sflag:s23], $0x1  }
0xa3: {  	[sflag:s23] =	ssyncset.done $0x0  }
0xa4: {  	s25 =	simm.s32 $0x1B8E;
	s24 =	sld [smem:$0x3FFE];
	[sflag:s23] =	ssyncadd.s32 $0xFFFFFFFF  }
0xa5: {  	s26 =	simm.s32 $execute0_lowered;
	[smem:$0x3FD2] =	sst s25  }
0xa6: {  	s4 =	sshll.u32 s26, $0x1;
	_ =	strace $0x80000049;
	[dreg:$0x1] =	wrdreg $0xFFFFFFFF  }
0xa7: {  	s28 =	simm.s32 $_size_execute0_lowered;
	s2 =	sadd.s32 s2, s4;
	[dreg:$0x0] =	wrdreg $0x0  }
0xa8: {  	s4 =	sshll.u32 s28, $0x1;
	[dreg:$0x2] =	wrdreg s2  }
0xa9: {  	[dreg:$0x3] =	wrdreg s4  }
0xaa: {  	[dreg:$0x4] =	wrdreg $0xC0  }
0xab: {  	_ =	task [dreg:s6], $0x5FFFF  }
0xac: {  	[dreg:$0x1] =	wrdreg $0xFFFFFFFF  }
0xad: {  	[dreg:$0x0] =	wrdreg $0x60  }
0xae: {  	[dreg:$0x2] =	wrdreg s24  }
0xaf: {  	[dreg:$0x3] =	wrdreg $0x0  }
0xb0: {  	[dreg:$0x4] =	wrdreg $0x9  }
0xb1: {  	_ =	task.clear_ibuf [dreg:s6], $0x5FFFF;
	_ =	strace $0x90000049  }
0xb2: {  	s29 =	simm.s32 $0x9;
	_ =	strace $0x8000004B  }
0xb3: {  	_ =	swait.ge [sflag:s29], $0x1  }
0xb4: {  	[sflag:s29] =	ssyncadd.s32 $0xFFFFFFFF  }
0xb5: {  	_ =	strace $0x9000004B  }
0xb6: {  	_ =	sfence  }
0xb7: {  	s30 =	sld [smem:$0x0];
	_ =	sdelay $0x2  }
0xb8: {  	s31 =	sshll.u32 s1, $0xD;
	s1 =	sshrl.u32 s1, $0x2  }
0xb9: {  	s3 =	sand.u32 $0x4000, s31;
	s1 =	sadd.s32 s1, s30  }
0xba: {  	s0 =	sor.u32 s3, s0;
	s1 =	sshll.u32 s1, $0x11  }
0xbb: {  	s0 =	sor.u32 s1, s0  }
0xbc: {  	s0 =	sadd.s32 $0x8F2B, s0  }
0xbd: {  	[sflag:s0] =	ssyncadd.remote.s32 $0x1  }
0xbe: {  	_ =	sfence.sel $0xFFFF  }
0xbf: {  	[dreg:$0x0] =	wrdreg $0xFFFFFFFF;
	(pc) =	sbr.abs _section_cstart, $3  }
0xc0: {  	[dreg:$0x1] =	wrdreg $0xFFFFFFFF  }
0xc1: {  	_ =	task.clear_ibuf [dreg:s6], $0x2FFFF;
	_ =	strace $0x9FFFFFFF  }
0xc2: {  	(tm) =	ssettm $0x7FFFFFFF  }
0xc3: {  	_ =	shalt  }
tec
execute0_lowered:
.L_overlay_start_1:
0x0: {  	(tag) =	ssettag $0x1  }
0x1: {  	s6 =	rddreg [dreg:$0x0]  }
0x2: {  	s0 =	srdreg.scid;
	s2 =	rddreg [dreg:$0x1];
	s3 =	simm.s32 $0x0  }
0x3: {  	s13 =	simm.s32 $0xA000;
	s14 =	simm.s32 $0xC780;
	s15 =	simm.s32 $0x80  }
0x4: {  	s16 =	simm.s32 $0xEF00;
	s17 =	simm.s32 $0x1;
	s18 =	simm.s32 $0x0  }
0x5: {  	s5 =	sand.u32 $0x1, s0;
	s0 =	stileid.u32;
	[smem:$0x7FF] =	sst s3  }
0x6: {  	s4 =	sadd.s32 $0x2E00, s6;
	s1 =	sshll.u32 s5, $0x4;
	s8 =	smul.u32 $0xA000, s0  }
0x7: {  	s9 =	smul.u32 $0xA0000, s5;
	s5 =	ssub.s32 $0x2, s5;
	s1 =	sor.u32 s0, s1  }
0x8: {  	s31 =	sshll.u32 s0, $0x6;
	s11 =	sshrl.u32 s5, $0x1;
	s7 =	smul.u32 $0x4F0, s1  }
0x9: {  	s1 =	rddreg [dreg:$0x2];
	_ =	strace $0x8000004A;
	s30 =	sshrl.u32 s8, $0x3  }
0xa: {  	s9 =	sadd.s32 s8, s9;
	s11 =	ssub.s32 s5, s11;
	s12 =	sadd.s32 s8, s2  }
0xb: {  	s9 =	sshrl.u32 s9, $0x3;
	s10 =	sadd.s32 s7, s6;
	s7 =	sadd.s32 s30, s6  }
0xc: {  	s9 =	sadd.s32 s9, s6;
	s6 =	sor.u32 $0x1C02, s31;
	s5 =	sadd.s32 $0x2A400, s7  }
0xd: {  	s7 =	sadd.s32 $0x16800, s10;
	s8 =	sadd.s32 $0x20600, s10;
	s9 =	sadd.s32 $0x3E400, s9  }
0xe: {  	s10 =	smax.u32 s11, $0x1;
	s11 =	sshrl.u32 s12, $0x3;
	s12 =	simm.s32 $0x2  }
.LBB2_1:
0xf: {  	[spmem:s11], [sflag:s6] =	dma.local [hbm:s5], $0x1400  }
0x10: {  	_ =	swait.ge [sflag:s12], $0x1400  }
0x11: {  	[sflag:s12] =	ssyncset.done $0x0  }
0x12: {  	[sflag:s12] =	ssyncadd.s32 $0xFFFFEC00  }
0x13: {  	[tilespmem:s13], [sflag:$0x2] =	stream.linear.gather [hbm4b:s7+s3], $0x2780, $0x38;
	[tilespmem:$0x10F00] =	vst v63  }
0x14: {  	_ =	swait.ge [sflag:s12], $0x2780  }
0x15: {  	[sflag:s12] =	ssyncset.done $0x0  }
0x16: {  	[sflag:s12] =	ssyncadd.s32 $0xFFFFD880  }
0x17: {  	[tilespmem:s14], [sflag:$0x2] =	stream.linear.gather [hbm4b:s8+s3], $0x2780, $0x38;
	[tilespmem:$0x10F00] =	vst v63  }
0x18: {  	_ =	swait.ge [sflag:s12], $0x2780  }
0x19: {  	[sflag:s12] =	ssyncset.done $0x0  }
0x1a: {  	[sflag:s12] =	ssyncadd.s32 $0xFFFFD880  }
0x1b: {  	s19 =	simm.s32 $0xA000;
	[bflag:$0x0] =	sbarrier.arrive $0xFFFF  }
0x1c: {  	[tilespmem:s16], [sflag:$0x1] =	stream.indirect.gather [hbm4b:s4+s15], $0x40, s19, s15, $0xb8;
	[tilespmem:$0x10F00] =	vst v63  }
0x1d: {  	_ =	swait.ge [sflag:s17], $0x2000  }
0x1e: {  	[sflag:s17] =	ssyncset.done $0x0  }
0x1f: {  	s31 =	simm.s32 $0xC780;
	[sflag:s17] =	ssyncadd.s32 $0xFFFFE000  }
0x20: {  	[spmem:s2] =	stream.indirect.scatter.add.f32 [tilespmem:s16], [sflag:$0x2], $0x40, s31, s15, $0xb8;
	[tilespmem:$0x10F00] =	vst v63  }
0x21: {  	_ =	swait.ge [sflag:s12], $0x2000  }
0x22: {  	s20 =	simm.s32 $0x400;
	s19 =	simm.s32 $0x80;
	[sflag:s12] =	ssyncset.done $0x0  }
.LBB2_2:
0x23: {  	s21 =	sadd.s32 $0xA000, s19  }
0x24: {  	[sflag:s12] =	ssyncadd.s32 $0xFFFFE000;
	s22 =	smov.u32 s20;
	s23 =	sadd.s32 $0x200, s20  }
0x25: {  	[tilespmem:s16], [sflag:$0x1] =	stream.indirect.gather [hbm4b:s4+s15], $0x40, s21, s15, $0xb8;
	[tilespmem:$0x10F00] =	vst v63  }
0x26: {  	p0 =	sne.s32 s20, $0x9C00;
	_ =	swait.ge [sflag:s17], $0x2000  }
.Ltmp0:
0x27: {  	[sflag:s17] =	ssyncset.done $0x0;
	(pc) =	sbr.rel @p0 .LBB2_2-.Ltmp0, $4  }
0x28: {  	s19 =	sadd.s32 $0xC780, s19;
	[sflag:s17] =	ssyncadd.s32 $0xFFFFE000  }
0x29: {  	[spmem:s2] =	stream.indirect.scatter.add.f32 [tilespmem:s16], [sflag:$0x2], $0x40, s19, s15, $0xb8;
	[tilespmem:$0x10F00] =	vst v63  }
0x2a: {  	_ =	swait.ge [sflag:s12], $0x2000  }
0x2b: {  	s20 =	smov.u32 s23;
	s19 =	sshra.s32 s22, $0x2;
	[sflag:s12] =	ssyncset.done $0x0  }
0x2c: {  	s20 =	sadd.s32 $0xA000, s19;
	[sflag:s12] =	ssyncadd.s32 $0xFFFFE000  }
0x2d: {  	[tilespmem:s16], [sflag:$0x1] =	stream.indirect.gather [hbm4b:s4+s15], $0x40, s20, s15, $0xb8;
	[tilespmem:$0x10F00] =	vst v63  }
0x2e: {  	_ =	swait.ge [sflag:s17], $0x2000  }
0x2f: {  	[sflag:s17] =	ssyncset.done $0x0  }
0x30: {  	s31 =	sadd.s32 $0xC780, s19;
	[sflag:s17] =	ssyncadd.s32 $0xFFFFE000  }
0x31: {  	[spmem:s2] =	stream.indirect.scatter.add.f32 [tilespmem:s16], [sflag:$0x2], $0x40, s31, s15, $0xb8;
	[tilespmem:$0x10F00] =	vst v63  }
0x32: {  	_ =	swait.ge [sflag:s12], $0x2000  }
0x33: {  	s18 =	sadd.s32 $0x1, s18;
	[sflag:s12] =	ssyncset.done $0x0  }
0x34: {  	p0 =	sne.s32 s18, s10;
	[sflag:s12] =	ssyncadd.s32 $0xFFFFE000  }
.Ltmp1:
0x35: {  	[bflag:$0x0] =	sbarrier.arrive $0xFFFF;
	(pc) =	sbr.rel @p0 .LBB2_1-.Ltmp1, $4  }
0x36: {  	[hbm:s9], [sflag:s6] =	dma.local [spmem:s11], $0x1400  }
0x37: {  	_ =	swait.ge [sflag:s12], $0x1400  }
0x38: {  	[sflag:s12] =	ssyncset.done $0x0  }
0x39: {  	[sflag:s12] =	ssyncadd.s32 $0xFFFFEC00  }
0x3a: {  	_ =	sfence.sel $0x180000  }
0x3b: {  	[bflag:$0x0] =	sbarrier.arrive $0xFFFF  }
0x3c: {  	p0 =	sne.s32 s0, $0x0;
	_ =	strace $0x9000004A  }
0x3d: {  	s0 =	sadd.s32 @!p0 $0x100000, s1;
	[bflag:$0x2] =	sbarrier.arrive $0xFFFF  }
0x3e: {  	[sflag:s0] =	ssyncadd.tile.s32 @!p0 $0x1;
	_ =	shalt  }
.Lfunc_end2:
_tile_overlayer_lowered:
.L_overlay_start_2:
0x3f: {  	(tag) =	ssettag $0x2  }
0x40: {  	s0 =	rddreg [dreg:$0x0];
	s2 =	stileid.u32  }
0x41: {  	s1 =	rddreg [dreg:$0x1];
	p0 =	sne.s32 s2, $0x0  }
0x42: {  	s3 =	rddreg [dreg:$0x2];
	[bflag:$0x3] =	sbarrier.arrive $0xFFFF;
	s2 =	simm.s32 @!p0 $0x1C02  }
0x43: {  	[timem:s3], [sflag:s2] =	dma.local @!p0 [hbm:s0], s1  }
0x44: {  	s0 =	simm.s32 @!p0 $0x2  }
0x45: {  	_ =	swait.ge @!p0 [sflag:s0], s1  }
0x46: {  	s1 =	ssub.s32 @!p0 $0x0, s1;
	[sflag:s0] =	ssyncset.done @!p0 $0x0  }
0x47: {  	[sflag:s0] =	ssyncadd.s32 @!p0 s1  }
0x48: {  	[bflag:$0x3] =	sbarrier.arrive $0xFFFF  }
0x49: {  	_ =	shalt  }

// kernel: kernel.15.cloned.1.call-start
scs
__scs_entry_jumppad:
0x0: {  	(pc) =	sbr.rel $0x88, $3  }
0x1: {  	(tag) =	ssettag $0x0;
	lr =	simm.s32 $0x1  }
0x2: {  	[smem:$0x3F8A] =	sst lr;
	_ =	strace $0xD0000000  }
0x3: {  	_ = 	snop  }
0x4: {  	_ = 	snop  }
0x5: {  	_ = 	snop  }
0x6: {  	_ = 	snop  }
0x7: {  	_ = 	snop  }
__scs_overlays_trampoline_lowered:
0x8: {  	[smem:$0x3F99] =	sst s0  }
0x9: {  	[smem:$0x3F9A] =	sst s1  }
0xa: {  	[smem:$0x3F9B] =	sst s2  }
0xb: {  	[smem:$0x3F9C] =	sst s3  }
0xc: {  	[smem:$0x3F9D] =	sst s4  }
0xd: {  	[smem:$0x3F9E] =	sst s5  }
0xe: {  	[smem:$0x3F9F] =	sst s6  }
0xf: {  	[smem:$0x3FA0] =	sst s7  }
0x10: {  	[smem:$0x3FA1] =	sst s8  }
0x11: {  	[smem:$0x3FA2] =	sst s9;
	s0 =	simm.s32 @!p0 $0x0  }
0x12: {  	s1 =	sld [smem:$0x3F88];
	s0 =	simm.s32 @p0 $0x1  }
0x13: {  	[smem:$0x3FA3] =	sst s0;
	s0 =	simm.s32 @!p1 $0x0  }
0x14: {  	s2 =	sld [smem:$0x3F87];
	s0 =	simm.s32 @p1 $0x1  }
0x15: {  	[smem:$0x3FA4] =	sst s0;
	s0 =	simm.s32 @!p2 $0x0  }
0x16: {  	s3 =	sld [smem:$0x3FDB];
	s0 =	simm.s32 @p2 $0x1  }
0x17: {  	s4 =	simm.s32 $0x1BF5;
	[smem:$0x3FA6] =	sst s0  }
0x18: {  	s0 =	sld [smem:$0x3F89];
	_ =	swait.ge [sflag:s4], $0x0  }
0x19: {  	s7 =	sld [smem:$0x3F8A]  }
0x1a: {  	s8 =	sadd.s32 $0xFFFFE003, lr  }
0x1b: {  	s9 =	sadd.s32 $0xFFFFFEF7, lr;
	s5 =	simm.s32 $0xFFFFFFFF;
	p2 =	slt.u32 s8, $0xFFFFF086  }
0x1c: {  	p1 =	slt.u32 s9, $0xF7A;
	s5 =	simm.s32 @!p2 $0x0  }
0x1d: {  	s5 =	simm.s32 @p1 $0x1;
	p0 =	seq.s32 s7, s2  }
0x1e: {  	s7 =	smul.u32 @!p0 $0xF7A, s2;
	p2 =	seq.s32 @!p0 s5, $0x0  }
0x1f: {  	s9 =	smul.u32 $0xF7A, s1;
	s8 =	simm.s32 @!p0 $0x1BF5;
	p2 =	por !p2, p0  }
0x20: {  	[sflag:s8] =	ssyncset.s32 @!p0 $0xFFFFF086;
	s6 =	sadd.s32 @!p0 s3, s7;
	s7 =	simm.s32 @!p0 $0x108  }
0x21: {  	s3 =	sadd.s32 s3, s9;
	s6 =	sadd.s32 @!p0 $0x88, s6;
	s7 =	simm.s32 @p2 $0x1082  }
0x22: {  	[simem:s7], [sflag:s8] =	dma.local @!p0 [hbm:s6], $0xF7A  }
0x23: {  	s9 =	sor.u32 $0xD0000000, s2;
	s6 =	simm.s32 $0x108;
	_ =	swait.ge @!p0 [sflag:s8], $0x0  }
0x24: {  	s3 =	sadd.s32 $0x88, s3;
	s6 =	simm.s32 @!p1 $0x1082;
	[sflag:s4] =	ssyncset.s32 $0xFFFFF086  }
0x25: {  	[simem:s6], [sflag:s4] =	dma.local [hbm:s3], $0xF7A  }
0x26: {  	[smem:$0x3F8A] =	sst s1;
	(tag) =	ssettag s2;
	_ =	strace s9  }
0x27: {  	s1 =	sld [smem:$0x3F9A]  }
0x28: {  	s2 =	sld [smem:$0x3F9B]  }
0x29: {  	s4 =	sld [smem:$0x3F9D]  }
0x2a: {  	p0 =	seq.s32 s5, $0x0;
	s5 =	sld [smem:$0x3F9E]  }
0x2b: {  	s6 =	sld [smem:$0x3F9F]  }
0x2c: {  	s7 =	sld [smem:$0x3FA0]  }
0x2d: {  	s3 =	simm.s32 $0x108;
	s8 =	sld [smem:$0x3FA1]  }
0x2e: {  	s3 =	simm.s32 @!p0 $0x1082;
	s9 =	sld [smem:$0x3FA2]  }
0x2f: {  	lr =	sadd.s32 s0, s3;
	s0 =	sld [smem:$0x3F99]  }
0x30: {  	s3 =	sld [smem:$0x3F9C]  }
0x31: {  	[smem:$0x3FA5] =	sst s10  }
0x32: {  	s10 =	sld [smem:$0x3FA3];
	_ =	sdelay $0x3  }
0x33: {  	p0 =	seq.s32 s10, $0x1;
	s10 =	sld [smem:$0x3FA5];
	_ =	sdelay $0x3  }
0x34: {  	[smem:$0x3FA5] =	sst s10  }
0x35: {  	s10 =	sld [smem:$0x3FA4];
	_ =	sdelay $0x3  }
0x36: {  	p1 =	seq.s32 s10, $0x1;
	s10 =	sld [smem:$0x3FA5];
	_ =	sdelay $0x3  }
0x37: {  	[smem:$0x3FA5] =	sst s10  }
0x38: {  	s10 =	sld [smem:$0x3FA6]  }
0x39: {  	_ = 	snop;
	(pc) =	sbr.ind lr, $3  }
0x3a: {  	_ = 	snop  }
0x3b: {  	_ = 	snop  }
0x3c: {  	p2 =	seq.s32 s10, $0x1;
	s10 =	sld [smem:$0x3FA5]  }
0x3d: {  	_ =	shalt  }
0x3e: {  	_ =	shalt  }
0x3f: {  	_ =	shalt  }
0x40: {  	_ =	shalt  }
0x41: {  	_ =	shalt  }
0x42: {  	_ =	shalt  }
0x43: {  	_ =	shalt  }
0x44: {  	_ =	shalt  }
0x45: {  	_ =	shalt  }
0x46: {  	_ =	shalt  }
0x47: {  	_ =	shalt  }
0x48: {  	_ =	shalt  }
0x49: {  	_ =	shalt  }
0x4a: {  	_ =	shalt  }
0x4b: {  	_ =	shalt  }
0x4c: {  	_ =	shalt  }
0x4d: {  	_ =	shalt  }
0x4e: {  	_ =	shalt  }
0x4f: {  	_ =	shalt  }
0x50: {  	_ =	shalt  }
0x51: {  	_ =	shalt  }
0x52: {  	_ =	shalt  }
0x53: {  	_ =	shalt  }
0x54: {  	_ =	shalt  }
0x55: {  	_ =	shalt  }
0x56: {  	_ =	shalt  }
0x57: {  	_ =	shalt  }
0x58: {  	_ =	shalt  }
0x59: {  	_ =	shalt  }
0x5a: {  	_ =	shalt  }
0x5b: {  	_ =	shalt  }
0x5c: {  	_ =	shalt  }
0x5d: {  	_ =	shalt  }
0x5e: {  	_ =	shalt  }
0x5f: {  	_ =	shalt  }
0x60: {  	_ =	shalt  }
0x61: {  	_ =	shalt  }
0x62: {  	_ =	shalt  }
0x63: {  	_ =	shalt  }
0x64: {  	_ =	shalt  }
0x65: {  	_ =	shalt  }
0x66: {  	_ =	shalt  }
0x67: {  	_ =	shalt  }
0x68: {  	_ =	shalt  }
0x69: {  	_ =	shalt  }
0x6a: {  	_ =	shalt  }
0x6b: {  	_ =	shalt  }
0x6c: {  	_ =	shalt  }
0x6d: {  	_ =	shalt  }
0x6e: {  	_ =	shalt  }
0x6f: {  	_ =	shalt  }
0x70: {  	_ =	shalt  }
0x71: {  	_ =	shalt  }
0x72: {  	_ =	shalt  }
0x73: {  	_ =	shalt  }
0x74: {  	_ =	shalt  }
0x75: {  	_ =	shalt  }
0x76: {  	_ =	shalt  }
0x77: {  	_ =	shalt  }
0x78: {  	_ =	shalt  }
0x79: {  	_ =	shalt  }
0x7a: {  	_ =	shalt  }
0x7b: {  	_ =	shalt  }
0x7c: {  	_ =	shalt  }
0x7d: {  	_ =	shalt  }
0x7e: {  	_ =	shalt  }
0x7f: {  	_ =	shalt  }
0x80: {  	_ =	shalt  }
0x81: {  	_ =	shalt  }
0x82: {  	_ =	shalt  }
0x83: {  	_ =	shalt  }
0x84: {  	_ =	shalt  }
0x85: {  	_ =	shalt  }
0x86: {  	_ =	shalt  }
0x87: {  	_ =	shalt  }
.Lfunc_end0:
.L_simem_size_0:
called_computation.2_lowered:
.L_overlay_start_0:
0x88: {  	s2 =	sld [smem:$0x3FD9]  }
0x89: {  	s3 =	sld [smem:$0x3FFE];
	_ =	sdelay $0x1  }
0x8a: {  	s1 =	srdreg.scid  }
0x8b: {  	s0 =	sand.u32 $0x1, s1  }
0x8c: {  	s16 =	sshll.u32 s0, $0xA;
	s2 =	sadd.s32 s3, s2  }
0x8d: {  	s2 =	sadd.s32 s2, s16  }
0x8e: {  	[smem:$0x3FB1] =	sst s2  }
0x8f: {  	_ = 	snop  }
0x90: {  	(tm) =	ssettm $0x1  }
0x91: {  	s17 =	sld [smem:$0x3FFB];
	_ =	sdelay $0x3  }
0x92: {  	_ =	strace s17  }
0x93: {  	s2 =	sld [smem:$0x3FFC];
	_ =	sdelay $0x3  }
0x94: {  	_ =	strace s2  }
0x95: {  	s2 =	sld [smem:$0x3FFD];
	_ =	sdelay $0x3  }
0x96: {  	_ =	strace s2  }
0x97: {  	_ =	strace $0x8FFFFFFF  }
0x98: {  	s18 =	sld [smem:$0x3FDB];
	_ =	sdelay $0x1  }
0x99: {  	s19 =	simm.s32 $_scs_section_size  }
0x9a: {  	s4 =	simm.s32 $_size__tile_overlayer_lowered;
	s5 =	simm.s32 $_tile_overlayer_lowered  }
0x9b: {  	s22 =	simm.s32 $0x1BFF;
	s21 =	sshll.u32 s5, $0x1;
	s2 =	sadd.s32 s19, s18  }
0x9c: {  	s6 =	simm.s32 $0x0;
	s20 =	sshll.u32 s4, $0x1;
	s4 =	sadd.s32 s21, s2  }
0x9d: {  	[timem:s6], [sflag:s22] =	dma.local [hbm:s4], s20  }
0x9e: {  	_ =	swait.ge [sflag:s22], s20  }
0x9f: {  	s3 =	ssub.s32 $0x0, s20;
	[sflag:s22] =	ssyncset.done $0x0  }
0xa0: {  	[sflag:s22] =	ssyncadd.s32 s3;
	_ =	sdelay $0x1  }
0xa1: {  	s23 =	simm.s32 $0x1B8B  }
0xa2: {  	_ =	swait.ge [sflag:s23], $0x1  }
0xa3: {  	[sflag:s23] =	ssyncset.done $0x0  }
0xa4: {  	s25 =	simm.s32 $0x1B8E;
	s24 =	sld [smem:$0x3FFE];
	[sflag:s23] =	ssyncadd.s32 $0xFFFFFFFF  }
0xa5: {  	s26 =	simm.s32 $execute0_lowered;
	[smem:$0x3FD2] =	sst s25  }
0xa6: {  	s4 =	sshll.u32 s26, $0x1;
	_ =	strace $0x8000004C;
	[dreg:$0x1] =	wrdreg $0xFFFFFFFF  }
0xa7: {  	s28 =	simm.s32 $_size_execute0_lowered;
	s2 =	sadd.s32 s2, s4;
	[dreg:$0x0] =	wrdreg $0x0  }
0xa8: {  	s4 =	sshll.u32 s28, $0x1;
	[dreg:$0x2] =	wrdreg s2  }
0xa9: {  	[dreg:$0x3] =	wrdreg s4  }
0xaa: {  	[dreg:$0x4] =	wrdreg $0xC0  }
0xab: {  	_ =	task [dreg:s6], $0x5FFFF  }
0xac: {  	[dreg:$0x1] =	wrdreg $0xFFFFFFFF  }
0xad: {  	[dreg:$0x0] =	wrdreg $0x60  }
0xae: {  	[dreg:$0x2] =	wrdreg s24  }
0xaf: {  	[dreg:$0x3] =	wrdreg $0x0  }
0xb0: {  	[dreg:$0x4] =	wrdreg $0x9  }
0xb1: {  	_ =	task.clear_ibuf [dreg:s6], $0x5FFFF;
	_ =	strace $0x9000004C  }
0xb2: {  	s29 =	simm.s32 $0x9;
	_ =	strace $0x8000004E  }
0xb3: {  	_ =	swait.ge [sflag:s29], $0x1  }
0xb4: {  	[sflag:s29] =	ssyncadd.s32 $0xFFFFFFFF  }
0xb5: {  	_ =	strace $0x9000004E  }
0xb6: {  	_ =	sfence  }
0xb7: {  	s30 =	sld [smem:$0x0];
	_ =	sdelay $0x2  }
0xb8: {  	s31 =	sshll.u32 s1, $0xD;
	s1 =	sshrl.u32 s1, $0x2  }
0xb9: {  	s3 =	sand.u32 $0x4000, s31;
	s1 =	sadd.s32 s1, s30  }
0xba: {  	s0 =	sor.u32 s3, s0;
	s1 =	sshll.u32 s1, $0x11  }
0xbb: {  	s0 =	sor.u32 s1, s0  }
0xbc: {  	s0 =	sadd.s32 $0x8F2B, s0  }
0xbd: {  	[sflag:s0] =	ssyncadd.remote.s32 $0x1  }
0xbe: {  	_ =	sfence.sel $0xFFFF  }
0xbf: {  	[dreg:$0x0] =	wrdreg $0xFFFFFFFF;
	(pc) =	sbr.abs _section_cstart, $3  }
0xc0: {  	[dreg:$0x1] =	wrdreg $0xFFFFFFFF  }
0xc1: {  	_ =	task.clear_ibuf [dreg:s6], $0x2FFFF;
	_ =	strace $0x9FFFFFFF  }
0xc2: {  	(tm) =	ssettm $0x7FFFFFFF  }
0xc3: {  	_ =	shalt  }
tec
execute0_lowered:
.L_overlay_start_1:
0x0: {  	(tag) =	ssettag $0x1  }
0x1: {  	s6 =	rddreg [dreg:$0x0]  }
0x2: {  	s0 =	srdreg.scid;
	s2 =	rddreg [dreg:$0x1];
	s3 =	simm.s32 $0x0  }
0x3: {  	s13 =	simm.s32 $0xA000;
	s14 =	simm.s32 $0xC780;
	s15 =	simm.s32 $0x80  }
0x4: {  	s16 =	simm.s32 $0xEF00;
	s17 =	simm.s32 $0x1;
	s18 =	simm.s32 $0x0  }
0x5: {  	s5 =	sand.u32 $0x1, s0;
	s0 =	stileid.u32;
	[smem:$0x7FF] =	sst s3  }
0x6: {  	s4 =	sadd.s32 $0x2E00, s6;
	s1 =	sshll.u32 s5, $0x4;
	s8 =	smul.u32 $0xA000, s0  }
0x7: {  	s9 =	smul.u32 $0xA0000, s5;
	s5 =	ssub.s32 $0x2, s5;
	s1 =	sor.u32 s0, s1  }
0x8: {  	s31 =	sshll.u32 s0, $0x6;
	s11 =	sshrl.u32 s5, $0x1;
	s7 =	smul.u32 $0x4F0, s1  }
0x9: {  	s1 =	rddreg [dreg:$0x2];
	_ =	strace $0x8000004D;
	s30 =	sshrl.u32 s8, $0x3  }
0xa: {  	s9 =	sadd.s32 s8, s9;
	s11 =	ssub.s32 s5, s11;
	s12 =	sadd.s32 s8, s2  }
0xb: {  	s9 =	sshrl.u32 s9, $0x3;
	s10 =	sadd.s32 s7, s6;
	s7 =	sadd.s32 s30, s6  }
0xc: {  	s9 =	sadd.s32 s9, s6;
	s6 =	sor.u32 $0x1C02, s31;
	s5 =	sadd.s32 $0x2A400, s7  }
0xd: {  	s7 =	sadd.s32 $0x16800, s10;
	s8 =	sadd.s32 $0x20600, s10;
	s9 =	sadd.s32 $0x3E400, s9  }
0xe: {  	s10 =	smax.u32 s11, $0x1;
	s11 =	sshrl.u32 s12, $0x3;
	s12 =	simm.s32 $0x2  }
.LBB2_1:
0xf: {  	[spmem:s11], [sflag:s6] =	dma.local [hbm:s5], $0x1400  }
0x10: {  	_ =	swait.ge [sflag:s12], $0x1400  }
0x11: {  	[sflag:s12] =	ssyncset.done $0x0  }
0x12: {  	[sflag:s12] =	ssyncadd.s32 $0xFFFFEC00  }
0x13: {  	[tilespmem:s13], [sflag:$0x2] =	stream.linear.gather [hbm4b:s7+s3], $0x2780, $0x38;
	[tilespmem:$0x10F00] =	vst v63  }
0x14: {  	_ =	swait.ge [sflag:s12], $0x2780  }
0x15: {  	[sflag:s12] =	ssyncset.done $0x0  }
0x16: {  	[sflag:s12] =	ssyncadd.s32 $0xFFFFD880  }
0x17: {  	[tilespmem:s14], [sflag:$0x2] =	stream.linear.gather [hbm4b:s8+s3], $0x2780, $0x38;
	[tilespmem:$0x10F00] =	vst v63  }
0x18: {  	_ =	swait.ge [sflag:s12], $0x2780  }
0x19: {  	[sflag:s12] =	ssyncset.done $0x0  }
0x1a: {  	[sflag:s12] =	ssyncadd.s32 $0xFFFFD880  }
0x1b: {  	s19 =	simm.s32 $0xA000;
	[bflag:$0x0] =	sbarrier.arrive $0xFFFF  }
0x1c: {  	[tilespmem:s16], [sflag:$0x1] =	stream.indirect.gather [hbm4b:s4+s15], $0x40, s19, s15, $0xb8;
	[tilespmem:$0x10F00] =	vst v63  }
0x1d: {  	_ =	swait.ge [sflag:s17], $0x2000  }
0x1e: {  	[sflag:s17] =	ssyncset.done $0x0  }
0x1f: {  	s31 =	simm.s32 $0xC780;
	[sflag:s17] =	ssyncadd.s32 $0xFFFFE000  }
0x20: {  	[spmem:s2] =	stream.indirect.scatter.add.f32 [tilespmem:s16], [sflag:$0x2], $0x40, s31, s15, $0xb8;
	[tilespmem:$0x10F00] =	vst v63  }
0x21: {  	_ =	swait.ge [sflag:s12], $0x2000  }
0x22: {  	s20 =	simm.s32 $0x400;
	s19 =	simm.s32 $0x80;
	[sflag:s12] =	ssyncset.done $0x0  }
.LBB2_2:
0x23: {  	s21 =	sadd.s32 $0xA000, s19  }
0x24: {  	[sflag:s12] =	ssyncadd.s32 $0xFFFFE000;
	s22 =	smov.u32 s20;
	s23 =	sadd.s32 $0x200, s20  }
0x25: {  	[tilespmem:s16], [sflag:$0x1] =	stream.indirect.gather [hbm4b:s4+s15], $0x40, s21, s15, $0xb8;
	[tilespmem:$0x10F00] =	vst v63  }
0x26: {  	p0 =	sne.s32 s20, $0x9C00;
	_ =	swait.ge [sflag:s17], $0x2000  }
.Ltmp0:
0x27: {  	[sflag:s17] =	ssyncset.done $0x0;
	(pc) =	sbr.rel @p0 .LBB2_2-.Ltmp0, $4  }
0x28: {  	s19 =	sadd.s32 $0xC780, s19;
	[sflag:s17] =	ssyncadd.s32 $0xFFFFE000  }
0x29: {  	[spmem:s2] =	stream.indirect.scatter.add.f32 [tilespmem:s16], [sflag:$0x2], $0x40, s19, s15, $0xb8;
	[tilespmem:$0x10F00] =	vst v63  }
0x2a: {  	_ =	swait.ge [sflag:s12], $0x2000  }
0x2b: {  	s20 =	smov.u32 s23;
	s19 =	sshra.s32 s22, $0x2;
	[sflag:s12] =	ssyncset.done $0x0  }
0x2c: {  	s20 =	sadd.s32 $0xA000, s19;
	[sflag:s12] =	ssyncadd.s32 $0xFFFFE000  }
0x2d: {  	[tilespmem:s16], [sflag:$0x1] =	stream.indirect.gather [hbm4b:s4+s15], $0x40, s20, s15, $0xb8;
	[tilespmem:$0x10F00] =	vst v63  }
0x2e: {  	_ =	swait.ge [sflag:s17], $0x2000  }
0x2f: {  	[sflag:s17] =	ssyncset.done $0x0  }
0x30: {  	s31 =	sadd.s32 $0xC780, s19;
	[sflag:s17] =	ssyncadd.s32 $0xFFFFE000  }
0x31: {  	[spmem:s2] =	stream.indirect.scatter.add.f32 [tilespmem:s16], [sflag:$0x2], $0x40, s31, s15, $0xb8;
	[tilespmem:$0x10F00] =	vst v63  }
0x32: {  	_ =	swait.ge [sflag:s12], $0x2000  }
0x33: {  	s18 =	sadd.s32 $0x1, s18;
	[sflag:s12] =	ssyncset.done $0x0  }
0x34: {  	p0 =	sne.s32 s18, s10;
	[sflag:s12] =	ssyncadd.s32 $0xFFFFE000  }
.Ltmp1:
0x35: {  	[bflag:$0x0] =	sbarrier.arrive $0xFFFF;
	(pc) =	sbr.rel @p0 .LBB2_1-.Ltmp1, $4  }
0x36: {  	[hbm:s9], [sflag:s6] =	dma.local [spmem:s11], $0x1400  }
0x37: {  	_ =	swait.ge [sflag:s12], $0x1400  }
0x38: {  	[sflag:s12] =	ssyncset.done $0x0  }
0x39: {  	[sflag:s12] =	ssyncadd.s32 $0xFFFFEC00  }
0x3a: {  	_ =	sfence.sel $0x180000  }
0x3b: {  	[bflag:$0x0] =	sbarrier.arrive $0xFFFF  }
0x3c: {  	p0 =	sne.s32 s0, $0x0;
	_ =	strace $0x9000004D  }
0x3d: {  	s0 =	sadd.s32 @!p0 $0x100000, s1;
	[bflag:$0x2] =	sbarrier.arrive $0xFFFF  }
0x3e: {  	[sflag:s0] =	ssyncadd.tile.s32 @!p0 $0x1;
	_ =	shalt  }
.Lfunc_end2:
_tile_overlayer_lowered:
.L_overlay_start_2:
0x3f: {  	(tag) =	ssettag $0x2  }
0x40: {  	s0 =	rddreg [dreg:$0x0];
	s2 =	stileid.u32  }
0x41: {  	s1 =	rddreg [dreg:$0x1];
	p0 =	sne.s32 s2, $0x0  }
0x42: {  	s3 =	rddreg [dreg:$0x2];
	[bflag:$0x3] =	sbarrier.arrive $0xFFFF;
	s2 =	simm.s32 @!p0 $0x1C02  }
0x43: {  	[timem:s3], [sflag:s2] =	dma.local @!p0 [hbm:s0], s1  }
0x44: {  	s0 =	simm.s32 @!p0 $0x2  }
0x45: {  	_ =	swait.ge @!p0 [sflag:s0], s1  }
0x46: {  	s1 =	ssub.s32 @!p0 $0x0, s1;
	[sflag:s0] =	ssyncset.done @!p0 $0x0  }
0x47: {  	[sflag:s0] =	ssyncadd.s32 @!p0 s1  }
0x48: {  	[bflag:$0x3] =	sbarrier.arrive $0xFFFF  }
0x49: {  	_ =	shalt  }

// kernel: kernel.9.cloned.1.call-start
scs
__scs_entry_jumppad:
0x0: {  	(pc) =	sbr.rel $0x88, $3  }
0x1: {  	(tag) =	ssettag $0x0;
	lr =	simm.s32 $0x1  }
0x2: {  	[smem:$0x3F8A] =	sst lr;
	_ =	strace $0xD0000000  }
0x3: {  	_ = 	snop  }
0x4: {  	_ = 	snop  }
0x5: {  	_ = 	snop  }
0x6: {  	_ = 	snop  }
0x7: {  	_ = 	snop  }
__scs_overlays_trampoline_lowered:
0x8: {  	[smem:$0x3F99] =	sst s0  }
0x9: {  	[smem:$0x3F9A] =	sst s1  }
0xa: {  	[smem:$0x3F9B] =	sst s2  }
0xb: {  	[smem:$0x3F9C] =	sst s3  }
0xc: {  	[smem:$0x3F9D] =	sst s4  }
0xd: {  	[smem:$0x3F9E] =	sst s5  }
0xe: {  	[smem:$0x3F9F] =	sst s6  }
0xf: {  	[smem:$0x3FA0] =	sst s7  }
0x10: {  	[smem:$0x3FA1] =	sst s8  }
0x11: {  	[smem:$0x3FA2] =	sst s9;
	s0 =	simm.s32 @!p0 $0x0  }
0x12: {  	s1 =	sld [smem:$0x3F88];
	s0 =	simm.s32 @p0 $0x1  }
0x13: {  	[smem:$0x3FA3] =	sst s0;
	s0 =	simm.s32 @!p1 $0x0  }
0x14: {  	s2 =	sld [smem:$0x3F87];
	s0 =	simm.s32 @p1 $0x1  }
0x15: {  	[smem:$0x3FA4] =	sst s0;
	s0 =	simm.s32 @!p2 $0x0  }
0x16: {  	s3 =	sld [smem:$0x3FDB];
	s0 =	simm.s32 @p2 $0x1  }
0x17: {  	s4 =	simm.s32 $0x1BF5;
	[smem:$0x3FA6] =	sst s0  }
0x18: {  	s0 =	sld [smem:$0x3F89];
	_ =	swait.ge [sflag:s4], $0x0  }
0x19: {  	s7 =	sld [smem:$0x3F8A]  }
0x1a: {  	s8 =	sadd.s32 $0xFFFFE003, lr  }
0x1b: {  	s9 =	sadd.s32 $0xFFFFFEF7, lr;
	s5 =	simm.s32 $0xFFFFFFFF;
	p2 =	slt.u32 s8, $0xFFFFF086  }
0x1c: {  	p1 =	slt.u32 s9, $0xF7A;
	s5 =	simm.s32 @!p2 $0x0  }
0x1d: {  	s5 =	simm.s32 @p1 $0x1;
	p0 =	seq.s32 s7, s2  }
0x1e: {  	s7 =	smul.u32 @!p0 $0xF7A, s2;
	p2 =	seq.s32 @!p0 s5, $0x0  }
0x1f: {  	s9 =	smul.u32 $0xF7A, s1;
	s8 =	simm.s32 @!p0 $0x1BF5;
	p2 =	por !p2, p0  }
0x20: {  	[sflag:s8] =	ssyncset.s32 @!p0 $0xFFFFF086;
	s6 =	sadd.s32 @!p0 s3, s7;
	s7 =	simm.s32 @!p0 $0x108  }
0x21: {  	s3 =	sadd.s32 s3, s9;
	s6 =	sadd.s32 @!p0 $0x88, s6;
	s7 =	simm.s32 @p2 $0x1082  }
0x22: {  	[simem:s7], [sflag:s8] =	dma.local @!p0 [hbm:s6], $0xF7A  }
0x23: {  	s9 =	sor.u32 $0xD0000000, s2;
	s6 =	simm.s32 $0x108;
	_ =	swait.ge @!p0 [sflag:s8], $0x0  }
0x24: {  	s3 =	sadd.s32 $0x88, s3;
	s6 =	simm.s32 @!p1 $0x1082;
	[sflag:s4] =	ssyncset.s32 $0xFFFFF086  }
0x25: {  	[simem:s6], [sflag:s4] =	dma.local [hbm:s3], $0xF7A  }
0x26: {  	[smem:$0x3F8A] =	sst s1;
	(tag) =	ssettag s2;
	_ =	strace s9  }
0x27: {  	s1 =	sld [smem:$0x3F9A]  }
0x28: {  	s2 =	sld [smem:$0x3F9B]  }
0x29: {  	s4 =	sld [smem:$0x3F9D]  }
0x2a: {  	p0 =	seq.s32 s5, $0x0;
	s5 =	sld [smem:$0x3F9E]  }
0x2b: {  	s6 =	sld [smem:$0x3F9F]  }
0x2c: {  	s7 =	sld [smem:$0x3FA0]  }
0x2d: {  	s3 =	simm.s32 $0x108;
	s8 =	sld [smem:$0x3FA1]  }
0x2e: {  	s3 =	simm.s32 @!p0 $0x1082;
	s9 =	sld [smem:$0x3FA2]  }
0x2f: {  	lr =	sadd.s32 s0, s3;
	s0 =	sld [smem:$0x3F99]  }
0x30: {  	s3 =	sld [smem:$0x3F9C]  }
0x31: {  	[smem:$0x3FA5] =	sst s10  }
0x32: {  	s10 =	sld [smem:$0x3FA3];
	_ =	sdelay $0x3  }
0x33: {  	p0 =	seq.s32 s10, $0x1;
	s10 =	sld [smem:$0x3FA5];
	_ =	sdelay $0x3  }
0x34: {  	[smem:$0x3FA5] =	sst s10  }
0x35: {  	s10 =	sld [smem:$0x3FA4];
	_ =	sdelay $0x3  }
0x36: {  	p1 =	seq.s32 s10, $0x1;
	s10 =	sld [smem:$0x3FA5];
	_ =	sdelay $0x3  }
0x37: {  	[smem:$0x3FA5] =	sst s10  }
0x38: {  	s10 =	sld [smem:$0x3FA6]  }
0x39: {  	_ = 	snop;
	(pc) =	sbr.ind lr, $3  }
0x3a: {  	_ = 	snop  }
0x3b: {  	_ = 	snop  }
0x3c: {  	p2 =	seq.s32 s10, $0x1;
	s10 =	sld [smem:$0x3FA5]  }
0x3d: {  	_ =	shalt  }
0x3e: {  	_ =	shalt  }
0x3f: {  	_ =	shalt  }
0x40: {  	_ =	shalt  }
0x41: {  	_ =	shalt  }
0x42: {  	_ =	shalt  }
0x43: {  	_ =	shalt  }
0x44: {  	_ =	shalt  }
0x45: {  	_ =	shalt  }
0x46: {  	_ =	shalt  }
0x47: {  	_ =	shalt  }
0x48: {  	_ =	shalt  }
0x49: {  	_ =	shalt  }
0x4a: {  	_ =	shalt  }
0x4b: {  	_ =	shalt  }
0x4c: {  	_ =	shalt  }
0x4d: {  	_ =	shalt  }
0x4e: {  	_ =	shalt  }
0x4f: {  	_ =	shalt  }
0x50: {  	_ =	shalt  }
0x51: {  	_ =	shalt  }
0x52: {  	_ =	shalt  }
0x53: {  	_ =	shalt  }
0x54: {  	_ =	shalt  }
0x55: {  	_ =	shalt  }
0x56: {  	_ =	shalt  }
0x57: {  	_ =	shalt  }
0x58: {  	_ =	shalt  }
0x59: {  	_ =	shalt  }
0x5a: {  	_ =	shalt  }
0x5b: {  	_ =	shalt  }
0x5c: {  	_ =	shalt  }
0x5d: {  	_ =	shalt  }
0x5e: {  	_ =	shalt  }
0x5f: {  	_ =	shalt  }
0x60: {  	_ =	shalt  }
0x61: {  	_ =	shalt  }
0x62: {  	_ =	shalt  }
0x63: {  	_ =	shalt  }
0x64: {  	_ =	shalt  }
0x65: {  	_ =	shalt  }
0x66: {  	_ =	shalt  }
0x67: {  	_ =	shalt  }
0x68: {  	_ =	shalt  }
0x69: {  	_ =	shalt  }
0x6a: {  	_ =	shalt  }
0x6b: {  	_ =	shalt  }
0x6c: {  	_ =	shalt  }
0x6d: {  	_ =	shalt  }
0x6e: {  	_ =	shalt  }
0x6f: {  	_ =	shalt  }
0x70: {  	_ =	shalt  }
0x71: {  	_ =	shalt  }
0x72: {  	_ =	shalt  }
0x73: {  	_ =	shalt  }
0x74: {  	_ =	shalt  }
0x75: {  	_ =	shalt  }
0x76: {  	_ =	shalt  }
0x77: {  	_ =	shalt  }
0x78: {  	_ =	shalt  }
0x79: {  	_ =	shalt  }
0x7a: {  	_ =	shalt  }
0x7b: {  	_ =	shalt  }
0x7c: {  	_ =	shalt  }
0x7d: {  	_ =	shalt  }
0x7e: {  	_ =	shalt  }
0x7f: {  	_ =	shalt  }
0x80: {  	_ =	shalt  }
0x81: {  	_ =	shalt  }
0x82: {  	_ =	shalt  }
0x83: {  	_ =	shalt  }
0x84: {  	_ =	shalt  }
0x85: {  	_ =	shalt  }
0x86: {  	_ =	shalt  }
0x87: {  	_ =	shalt  }
.Lfunc_end0:
.L_simem_size_0:
called_computation_lowered:
.L_overlay_start_0:
0x88: {  	s2 =	sld [smem:$0x3FD9]  }
0x89: {  	s3 =	sld [smem:$0x3FFE];
	_ =	sdelay $0x1  }
0x8a: {  	s1 =	srdreg.scid  }
0x8b: {  	s0 =	sand.u32 $0x1, s1  }
0x8c: {  	s16 =	sshll.u32 s0, $0xA;
	s2 =	sadd.s32 s3, s2  }
0x8d: {  	s2 =	sadd.s32 s2, s16  }
0x8e: {  	[smem:$0x3FB1] =	sst s2  }
0x8f: {  	_ = 	snop  }
0x90: {  	(tm) =	ssettm $0x1  }
0x91: {  	s17 =	sld [smem:$0x3FFB];
	_ =	sdelay $0x3  }
0x92: {  	_ =	strace s17  }
0x93: {  	s2 =	sld [smem:$0x3FFC];
	_ =	sdelay $0x3  }
0x94: {  	_ =	strace s2  }
0x95: {  	s2 =	sld [smem:$0x3FFD];
	_ =	sdelay $0x3  }
0x96: {  	_ =	strace s2  }
0x97: {  	_ =	strace $0x8FFFFFFF  }
0x98: {  	s18 =	sld [smem:$0x3FDB];
	_ =	sdelay $0x1  }
0x99: {  	s19 =	simm.s32 $_scs_section_size  }
0x9a: {  	s4 =	simm.s32 $_size__tile_overlayer_lowered;
	s5 =	simm.s32 $_tile_overlayer_lowered  }
0x9b: {  	s22 =	simm.s32 $0x1BFF;
	s21 =	sshll.u32 s5, $0x1;
	s2 =	sadd.s32 s19, s18  }
0x9c: {  	s6 =	simm.s32 $0x0;
	s20 =	sshll.u32 s4, $0x1;
	s4 =	sadd.s32 s21, s2  }
0x9d: {  	[timem:s6], [sflag:s22] =	dma.local [hbm:s4], s20  }
0x9e: {  	_ =	swait.ge [sflag:s22], s20  }
0x9f: {  	s3 =	ssub.s32 $0x0, s20;
	[sflag:s22] =	ssyncset.done $0x0  }
0xa0: {  	[sflag:s22] =	ssyncadd.s32 s3;
	_ =	sdelay $0x1  }
0xa1: {  	s23 =	simm.s32 $0x1B8B  }
0xa2: {  	_ =	swait.ge [sflag:s23], $0x1  }
0xa3: {  	[sflag:s23] =	ssyncset.done $0x0  }
0xa4: {  	s25 =	simm.s32 $0x1B8E;
	s24 =	sld [smem:$0x3FFE];
	[sflag:s23] =	ssyncadd.s32 $0xFFFFFFFF  }
0xa5: {  	s26 =	simm.s32 $execute0_lowered;
	[smem:$0x3FD2] =	sst s25  }
0xa6: {  	s4 =	sshll.u32 s26, $0x1;
	_ =	strace $0x80000046;
	[dreg:$0x1] =	wrdreg $0xFFFFFFFF  }
0xa7: {  	s28 =	simm.s32 $_size_execute0_lowered;
	s2 =	sadd.s32 s2, s4;
	[dreg:$0x0] =	wrdreg $0x0  }
0xa8: {  	s4 =	sshll.u32 s28, $0x1;
	[dreg:$0x2] =	wrdreg s2  }
0xa9: {  	[dreg:$0x3] =	wrdreg s4  }
0xaa: {  	[dreg:$0x4] =	wrdreg $0xC0  }
0xab: {  	_ =	task [dreg:s6], $0x5FFFF  }
0xac: {  	[dreg:$0x1] =	wrdreg $0xFFFFFFFF  }
0xad: {  	[dreg:$0x0] =	wrdreg $0x60  }
0xae: {  	[dreg:$0x2] =	wrdreg s24  }
0xaf: {  	[dreg:$0x3] =	wrdreg $0x0  }
0xb0: {  	[dreg:$0x4] =	wrdreg $0x9  }
0xb1: {  	_ =	task.clear_ibuf [dreg:s6], $0x5FFFF;
	_ =	strace $0x90000046  }
0xb2: {  	s29 =	simm.s32 $0x9;
	_ =	strace $0x80000048  }
0xb3: {  	_ =	swait.ge [sflag:s29], $0x1  }
0xb4: {  	[sflag:s29] =	ssyncadd.s32 $0xFFFFFFFF  }
0xb5: {  	_ =	strace $0x90000048  }
0xb6: {  	_ =	sfence  }
0xb7: {  	s30 =	sld [smem:$0x0];
	_ =	sdelay $0x2  }
0xb8: {  	s31 =	sshll.u32 s1, $0xD;
	s1 =	sshrl.u32 s1, $0x2  }
0xb9: {  	s3 =	sand.u32 $0x4000, s31;
	s1 =	sadd.s32 s1, s30  }
0xba: {  	s0 =	sor.u32 s3, s0;
	s1 =	sshll.u32 s1, $0x11  }
0xbb: {  	s0 =	sor.u32 s1, s0  }
0xbc: {  	s0 =	sadd.s32 $0x8F2B, s0  }
0xbd: {  	[sflag:s0] =	ssyncadd.remote.s32 $0x1  }
0xbe: {  	_ =	sfence.sel $0xFFFF  }
0xbf: {  	[dreg:$0x0] =	wrdreg $0xFFFFFFFF;
	(pc) =	sbr.abs _section_cstart, $3  }
0xc0: {  	[dreg:$0x1] =	wrdreg $0xFFFFFFFF  }
0xc1: {  	_ =	task.clear_ibuf [dreg:s6], $0x2FFFF;
	_ =	strace $0x9FFFFFFF  }
0xc2: {  	(tm) =	ssettm $0x7FFFFFFF  }
0xc3: {  	_ =	shalt  }
tec
execute0_lowered:
.L_overlay_start_1:
0x0: {  	(tag) =	ssettag $0x1  }
0x1: {  	s6 =	rddreg [dreg:$0x0]  }
0x2: {  	s0 =	srdreg.scid;
	s2 =	rddreg [dreg:$0x1];
	s3 =	simm.s32 $0x0  }
0x3: {  	s13 =	simm.s32 $0xA000;
	s14 =	simm.s32 $0xC780;
	s15 =	simm.s32 $0x80  }
0x4: {  	s16 =	simm.s32 $0xEF00;
	s17 =	simm.s32 $0x1;
	s18 =	simm.s32 $0x0  }
0x5: {  	s5 =	sand.u32 $0x1, s0;
	s0 =	stileid.u32;
	[smem:$0x7FF] =	sst s3  }
0x6: {  	s4 =	sadd.s32 $0x2E00, s6;
	s1 =	sshll.u32 s5, $0x4;
	s8 =	smul.u32 $0xA000, s0  }
0x7: {  	s9 =	smul.u32 $0xA0000, s5;
	s5 =	ssub.s32 $0x2, s5;
	s1 =	sor.u32 s0, s1  }
0x8: {  	s31 =	sshll.u32 s0, $0x6;
	s11 =	sshrl.u32 s5, $0x1;
	s7 =	smul.u32 $0x4F0, s1  }
0x9: {  	s1 =	rddreg [dreg:$0x2];
	_ =	strace $0x80000047;
	s30 =	sshrl.u32 s8, $0x3  }
0xa: {  	s9 =	sadd.s32 s8, s9;
	s11 =	ssub.s32 s5, s11;
	s12 =	sadd.s32 s8, s2  }
0xb: {  	s9 =	sshrl.u32 s9, $0x3;
	s10 =	sadd.s32 s7, s6;
	s7 =	sadd.s32 s30, s6  }
0xc: {  	s9 =	sadd.s32 s9, s6;
	s6 =	sor.u32 $0x1C02, s31;
	s5 =	sadd.s32 $0x2A400, s7  }
0xd: {  	s7 =	sadd.s32 $0x16800, s10;
	s8 =	sadd.s32 $0x20600, s10;
	s9 =	sadd.s32 $0x3E400, s9  }
0xe: {  	s10 =	smax.u32 s11, $0x1;
	s11 =	sshrl.u32 s12, $0x3;
	s12 =	simm.s32 $0x2  }
.LBB2_1:
0xf: {  	[spmem:s11], [sflag:s6] =	dma.local [hbm:s5], $0x1400  }
0x10: {  	_ =	swait.ge [sflag:s12], $0x1400  }
0x11: {  	[sflag:s12] =	ssyncset.done $0x0  }
0x12: {  	[sflag:s12] =	ssyncadd.s32 $0xFFFFEC00  }
0x13: {  	[tilespmem:s13], [sflag:$0x2] =	stream.linear.gather [hbm4b:s7+s3], $0x2780, $0x38;
	[tilespmem:$0x10F00] =	vst v63  }
0x14: {  	_ =	swait.ge [sflag:s12], $0x2780  }
0x15: {  	[sflag:s12] =	ssyncset.done $0x0  }
0x16: {  	[sflag:s12] =	ssyncadd.s32 $0xFFFFD880  }
0x17: {  	[tilespmem:s14], [sflag:$0x2] =	stream.linear.gather [hbm4b:s8+s3], $0x2780, $0x38;
	[tilespmem:$0x10F00] =	vst v63  }
0x18: {  	_ =	swait.ge [sflag:s12], $0x2780  }
0x19: {  	[sflag:s12] =	ssyncset.done $0x0  }
0x1a: {  	[sflag:s12] =	ssyncadd.s32 $0xFFFFD880  }
0x1b: {  	s19 =	simm.s32 $0xA000;
	[bflag:$0x0] =	sbarrier.arrive $0xFFFF  }
0x1c: {  	[tilespmem:s16], [sflag:$0x1] =	stream.indirect.gather [hbm4b:s4+s15], $0x40, s19, s15, $0xb8;
	[tilespmem:$0x10F00] =	vst v63  }
0x1d: {  	_ =	swait.ge [sflag:s17], $0x2000  }
0x1e: {  	[sflag:s17] =	ssyncset.done $0x0  }
0x1f: {  	s31 =	simm.s32 $0xC780;
	[sflag:s17] =	ssyncadd.s32 $0xFFFFE000  }
0x20: {  	[spmem:s2] =	stream.indirect.scatter.add.f32 [tilespmem:s16], [sflag:$0x2], $0x40, s31, s15, $0xb8;
	[tilespmem:$0x10F00] =	vst v63  }
0x21: {  	_ =	swait.ge [sflag:s12], $0x2000  }
0x22: {  	s20 =	simm.s32 $0x400;
	s19 =	simm.s32 $0x80;
	[sflag:s12] =	ssyncset.done $0x0  }
.LBB2_2:
0x23: {  	s21 =	sadd.s32 $0xA000, s19  }
0x24: {  	[sflag:s12] =	ssyncadd.s32 $0xFFFFE000;
	s22 =	smov.u32 s20;
	s23 =	sadd.s32 $0x200, s20  }
0x25: {  	[tilespmem:s16], [sflag:$0x1] =	stream.indirect.gather [hbm4b:s4+s15], $0x40, s21, s15, $0xb8;
	[tilespmem:$0x10F00] =	vst v63  }
0x26: {  	p0 =	sne.s32 s20, $0x9C00;
	_ =	swait.ge [sflag:s17], $0x2000  }
.Ltmp0:
0x27: {  	[sflag:s17] =	ssyncset.done $0x0;
	(pc) =	sbr.rel @p0 .LBB2_2-.Ltmp0, $4  }
0x28: {  	s19 =	sadd.s32 $0xC780, s19;
	[sflag:s17] =	ssyncadd.s32 $0xFFFFE000  }
0x29: {  	[spmem:s2] =	stream.indirect.scatter.add.f32 [tilespmem:s16], [sflag:$0x2], $0x40, s19, s15, $0xb8;
	[tilespmem:$0x10F00] =	vst v63  }
0x2a: {  	_ =	swait.ge [sflag:s12], $0x2000  }
0x2b: {  	s20 =	smov.u32 s23;
	s19 =	sshra.s32 s22, $0x2;
	[sflag:s12] =	ssyncset.done $0x0  }
0x2c: {  	s20 =	sadd.s32 $0xA000, s19;
	[sflag:s12] =	ssyncadd.s32 $0xFFFFE000  }
0x2d: {  	[tilespmem:s16], [sflag:$0x1] =	stream.indirect.gather [hbm4b:s4+s15], $0x40, s20, s15, $0xb8;
	[tilespmem:$0x10F00] =	vst v63  }
0x2e: {  	_ =	swait.ge [sflag:s17], $0x2000  }
0x2f: {  	[sflag:s17] =	ssyncset.done $0x0  }
0x30: {  	s31 =	sadd.s32 $0xC780, s19;
	[sflag:s17] =	ssyncadd.s32 $0xFFFFE000  }
0x31: {  	[spmem:s2] =	stream.indirect.scatter.add.f32 [tilespmem:s16], [sflag:$0x2], $0x40, s31, s15, $0xb8;
	[tilespmem:$0x10F00] =	vst v63  }
0x32: {  	_ =	swait.ge [sflag:s12], $0x2000  }
0x33: {  	s18 =	sadd.s32 $0x1, s18;
	[sflag:s12] =	ssyncset.done $0x0  }
0x34: {  	p0 =	sne.s32 s18, s10;
	[sflag:s12] =	ssyncadd.s32 $0xFFFFE000  }
.Ltmp1:
0x35: {  	[bflag:$0x0] =	sbarrier.arrive $0xFFFF;
	(pc) =	sbr.rel @p0 .LBB2_1-.Ltmp1, $4  }
0x36: {  	[hbm:s9], [sflag:s6] =	dma.local [spmem:s11], $0x1400  }
0x37: {  	_ =	swait.ge [sflag:s12], $0x1400  }
0x38: {  	[sflag:s12] =	ssyncset.done $0x0  }
0x39: {  	[sflag:s12] =	ssyncadd.s32 $0xFFFFEC00  }
0x3a: {  	_ =	sfence.sel $0x180000  }
0x3b: {  	[bflag:$0x0] =	sbarrier.arrive $0xFFFF  }
0x3c: {  	p0 =	sne.s32 s0, $0x0;
	_ =	strace $0x90000047  }
0x3d: {  	s0 =	sadd.s32 @!p0 $0x100000, s1;
	[bflag:$0x2] =	sbarrier.arrive $0xFFFF  }
0x3e: {  	[sflag:s0] =	ssyncadd.tile.s32 @!p0 $0x1;
	_ =	shalt  }
.Lfunc_end2:
_tile_overlayer_lowered:
.L_overlay_start_2:
0x3f: {  	(tag) =	ssettag $0x2  }
0x40: {  	s0 =	rddreg [dreg:$0x0];
	s2 =	stileid.u32  }
0x41: {  	s1 =	rddreg [dreg:$0x1];
	p0 =	sne.s32 s2, $0x0  }
0x42: {  	s3 =	rddreg [dreg:$0x2];
	[bflag:$0x3] =	sbarrier.arrive $0xFFFF;
	s2 =	simm.s32 @!p0 $0x1C02  }
0x43: {  	[timem:s3], [sflag:s2] =	dma.local @!p0 [hbm:s0], s1  }
0x44: {  	s0 =	simm.s32 @!p0 $0x2  }
0x45: {  	_ =	swait.ge @!p0 [sflag:s0], s1  }
0x46: {  	s1 =	ssub.s32 @!p0 $0x0, s1;
	[sflag:s0] =	ssyncset.done @!p0 $0x0  }
0x47: {  	[sflag:s0] =	ssyncadd.s32 @!p0 s1  }
0x48: {  	[bflag:$0x3] =	sbarrier.arrive $0xFFFF  }
0x49: {  	_ =	shalt  }

</sc_bundles>
